<compile_context>
chip_gen: v7x
topology: tpu7x:2x2x1
jax: 0.10.2.dev20260603
libtpu: 0.0.44.dev20260713+nightly
codegen_flags: <defaults>
</compile_context>

<pallas_src>
import functools

import jax
import jax.numpy as jnp
from jax import lax
from jax.experimental import pallas as pl
from jax.experimental.pallas import tpu as pltpu
from jax.experimental.pallas import tpu_sc as plsc

N = 10000
D = 128
NP = 10240
NC = 2
NS = 16
RPT = NP // NS
CH = 128
NB = 2
ZR = 64
DEGW = 16
DH = D // NC


def _make_sc_agg(chunks: int):
    assert chunks % NB == 0
    mesh = plsc.VectorSubcoreMesh(core_axis_name="c", subcore_axis_name="s")

    @functools.partial(
        pl.kernel,
        mesh=mesh,
        compiler_params=pltpu.CompilerParams(use_tc_tiling_on_sc=False,
                                             needs_layout_passes=False),
        out_type=[
            jax.ShapeDtypeStruct((NP, D), jnp.float32),
            jax.ShapeDtypeStruct((NC, NP, DEGW), jnp.float32),
        ],
        scratch_types=[
            pltpu.VMEM((chunks, CH), jnp.int32),
            pltpu.VMEM((chunks, CH), jnp.int32),
            [pltpu.VMEM((CH, DH), jnp.bfloat16)] * NB,
            [pltpu.VMEM((CH, DH), jnp.float32)] * NB,
            pltpu.VMEM((CH, DEGW), jnp.float32),
            pltpu.VMEM((ZR, DEGW), jnp.float32),
            pltpu.VMEM_SHARED((NP, DH), jnp.float32),
            pltpu.VMEM_SHARED((NP, DEGW), jnp.float32),
            [pltpu.SemaphoreType.DMA] * NB,
        ],
    )
    def sc_agg(xh_hbm, src_hbm, dst_hbm, agg_out, deg_out,
               src_v, dst_v, rows, stg, ones_v, zdeg_v,
               agg_s, deg_s, sem_g):
        cid = lax.axis_index("c")
        sid = lax.axis_index("s")
        base = sid * RPT

        zero16 = jnp.zeros((16,), jnp.float32)
        one16 = jnp.ones((16,), jnp.float32)

        def fill_zrow(i, _):
            for g in range(DH // 16):
                stg[0][i, pl.ds(g * 16, 16)] = zero16
            return 0
        lax.fori_loop(0, CH, fill_zrow, 0)

        def fill_zdeg(i, _):
            zdeg_v[i, :] = zero16
            return 0
        lax.fori_loop(0, ZR, fill_zdeg, 0)

        def fill_ones(i, _):
            ones_v[i, :] = one16
            return 0
        lax.fori_loop(0, CH, fill_ones, 0)

        for j in range(RPT // CH):
            pltpu.sync_copy(stg[0], agg_s.at[pl.ds(base + j * CH, CH)])
        for j in range(RPT // ZR):
            pltpu.sync_copy(zdeg_v, deg_s.at[pl.ds(base + j * ZR, ZR)])

        pltpu.sync_copy(src_hbm.at[sid], src_v)
        pltpu.sync_copy(dst_hbm.at[sid], dst_v)
        plsc.subcore_barrier()

        def gather(j, b):
            pltpu.async_copy(xh_hbm.at[cid].at[src_v.at[j]], rows[b],
                             sem_g[b])

        def wait_gather(j, b):
            pltpu.make_async_copy(xh_hbm.at[cid].at[src_v.at[j]], rows[b],
                                  sem_g[b]).wait()

        hi_mask = jnp.full((16,), -65536, jnp.int32)

        def convert(b):
            def conv_row(i, _):
                for g in range(DH // 32):
                    v = rows[b][i, pl.ds(g * 32, 32)]
                    w = plsc.bitcast(v, jnp.int32)
                    lo = plsc.bitcast(jnp.left_shift(w, 16), jnp.float32)
                    hi = plsc.bitcast(
                        jnp.bitwise_and(w, hi_mask), jnp.float32)
                    stg[b][i, pl.ds(g * 32, 16)] = lo
                    stg[b][i, pl.ds(g * 32 + 16, 16)] = hi
                return 0
            lax.fori_loop(0, CH, conv_row, 0)

        gather(0, 0)

        def pair_body(g, _):
            j0 = 2 * g
            gather(j0 + 1, 1)
            wait_gather(j0, 0)
            convert(0)
            pltpu.sync_copy(stg[0], agg_s.at[dst_v.at[j0]], add=True)

            @pl.when(cid == 0)
            def _():
                pltpu.sync_copy(ones_v, deg_s.at[dst_v.at[j0]], add=True)

            @pl.when(j0 + 2 < chunks)
            def _():
                gather(j0 + 2, 0)
            wait_gather(j0 + 1, 1)
            convert(1)
            pltpu.sync_copy(stg[1], agg_s.at[dst_v.at[j0 + 1]], add=True)

            @pl.when(cid == 1)
            def _():
                pltpu.sync_copy(ones_v, deg_s.at[dst_v.at[j0 + 1]],
                                add=True)
            return 0
        lax.fori_loop(0, chunks // 2, pair_body, 0)
        plsc.subcore_barrier()

        pltpu.sync_copy(agg_s.at[pl.ds(base, RPT)],
                        agg_out.at[pl.ds(base, RPT), pl.ds(cid * DH, DH)])
        pltpu.sync_copy(deg_s.at[pl.ds(base, RPT)],
                        deg_out.at[cid, pl.ds(base, RPT)])

    return sc_agg


def _tc_loop_msg(x_ref, w_ref, c_ref, o_ref):
    c = c_ref[0, 0]
    sc = jnp.sqrt(c)
    xb = x_ref[...]
    x_norm = jnp.maximum(
        jnp.sqrt(jnp.sum(xb * xb, axis=1, keepdims=True)), 1e-5)
    mx = jnp.dot(xb, w_ref[...], preferred_element_type=jnp.float32)
    mx_norm = jnp.maximum(
        jnp.sqrt(jnp.sum(mx * mx, axis=1, keepdims=True)), 1e-5)
    a = jnp.clip(sc * x_norm, -1.0 + 1e-7, 1.0 - 1e-7)
    artanh = 0.5 * jnp.log((1.0 + a) / (1.0 - a))
    o_ref[...] = jnp.tanh(mx_norm / x_norm * artanh) * mx / (mx_norm * sc)


def _tc_combine(agg_ref, deg_ref, lm_ref, b_ref, c_ref, o_ref):
    c = c_ref[0, 0]
    deg = (deg_ref[0] + deg_ref[1])[:, 0:1]
    h = agg_ref[...] / jnp.maximum(deg, 1.0)

    def mobius_add(u, v):
        u2 = jnp.sum(u * u, axis=-1, keepdims=True)
        v2 = jnp.sum(v * v, axis=-1, keepdims=True)
        uv = jnp.sum(u * v, axis=-1, keepdims=True)
        num = (1.0 + 2.0 * c * uv + c * v2) * u + (1.0 - c * u2) * v
        den = 1.0 + 2.0 * c * uv + c * c * u2 * v2
        return num / (den + 1e-15)

    h = mobius_add(h, b_ref[...])
    h = mobius_add(h, lm_ref[...])
    o_ref[...] = jnp.maximum(h, 0.0)


def kernel(x, edge_index, loop_weight, bias, k, reverse):
    E = edge_index.shape[1]
    epe = NS * CH * 2
    e_pad = ((E + epe - 1) // epe) * epe
    chunks = e_pad // (NS * CH)

    src = jnp.where(reverse, edge_index[1], edge_index[0]).astype(jnp.int32)
    dst = jnp.where(reverse, edge_index[0], edge_index[1]).astype(jnp.int32)
    pad = e_pad - E
    src = jnp.concatenate([src, jnp.zeros((pad,), jnp.int32)])
    dst = jnp.concatenate([dst, jnp.full((pad,), NP - 1, jnp.int32)])
    src3 = src.reshape(NS, chunks, CH)
    dst3 = dst.reshape(NS, chunks, CH)

    def perm_half(h):
        return (h.reshape(N, 2, 2, 16).transpose(0, 1, 3, 2)
                .reshape(N, DH).astype(jnp.bfloat16))
    xh = jnp.stack([perm_half(x[:, :DH]), perm_half(x[:, DH:])], axis=0)

    agg, deg = _make_sc_agg(chunks)(xh, src3, dst3)

    blk = 2000
    c11 = k.reshape(1, 1).astype(jnp.float32)
    loop_msg = pl.pallas_call(
        _tc_loop_msg,
        grid=(N // blk,),
        in_specs=[
            pl.BlockSpec((blk, D), lambda i: (i, 0)),
            pl.BlockSpec((D, D), lambda i: (0, 0)),
            pl.BlockSpec(memory_space=pltpu.SMEM),
        ],
        out_specs=pl.BlockSpec((blk, D), lambda i: (i, 0)),
        out_shape=jax.ShapeDtypeStruct((N, D), jnp.float32),
    )(x, loop_weight, c11)

    out = pl.pallas_call(
        _tc_combine,
        grid=(N // blk,),
        in_specs=[
            pl.BlockSpec((blk, D), lambda i: (i, 0)),
            pl.BlockSpec((NC, blk, DEGW), lambda i: (0, i, 0)),
            pl.BlockSpec((blk, D), lambda i: (i, 0)),
            pl.BlockSpec((1, D), lambda i: (0, 0)),
            pl.BlockSpec(memory_space=pltpu.SMEM),
        ],
        out_specs=pl.BlockSpec((blk, D), lambda i: (i, 0)),
        out_shape=jax.ShapeDtypeStruct((N, D), jnp.float32),
    )(agg, deg, loop_msg, bias.reshape(1, D), c11)
    return out

# --- scband reference (transcript-rebuilt; emitter-appended) ---
"""Pipeline reference for scband-rgcnlayer-38190849196693 (READ-ONLY COPY).

The authoritative reference and input builder live on the scoring server;
editing this copy changes nothing except your own understanding.
"""

import jax, jax.numpy as jnp
import numpy as np

N = 10000
E = 320000
D = 128


def _artanh(x):
    x = jnp.clip(x, -1.0 + 1e-7, 1.0 - 1e-7)
    return 0.5 * jnp.log((1.0 + x) / (1.0 - x))


def _mobius_add(x, y, c):
    # Poincare-ball Mobius addition with curvature magnitude c > 0
    x2 = jnp.sum(x * x, axis=-1, keepdims=True)
    y2 = jnp.sum(y * y, axis=-1, keepdims=True)
    xy = jnp.sum(x * y, axis=-1, keepdims=True)
    num = (1.0 + 2.0 * c * xy + c * y2) * x + (1.0 - c * x2) * y
    den = 1.0 + 2.0 * c * xy + c * c * x2 * y2
    return num / (den + 1e-15)


def _mobius_matvec(m, x, c):
    # hyperbolic matrix-vector product: maps x in ball through linear map m
    sc = jnp.sqrt(c)
    x_norm = jnp.clip(jnp.linalg.norm(x, axis=-1, keepdims=True), 1e-5)
    mx = x @ m
    mx_norm = jnp.clip(jnp.linalg.norm(mx, axis=-1, keepdims=True), 1e-5)
    res = jnp.tanh(mx_norm / x_norm * _artanh(sc * x_norm)) * mx / (mx_norm * sc)
    return res


def setup_inputs(seed: int = 0) -> dict:
    key = jax.random.key(seed)
    ks = jax.random.split(key, 5)
    # points must lie inside the Poincare ball -> scale down
    x = jax.random.normal(ks[0], (N, D), dtype=jnp.float32) * 0.01
    edge_index = jax.random.randint(ks[1], (2, E), 0, N, dtype=jnp.int64)
    loop_weight = jax.random.normal(ks[2], (D, D), dtype=jnp.float32) * (1.0 / np.sqrt(D))
    bias = jax.random.normal(ks[3], (D,), dtype=jnp.float32) * 0.01
    k = jnp.asarray(1.0, dtype=jnp.float32)  # curvature parameter self.k
    reverse = jnp.asarray(False)
    return {"x": x, "edge_index": edge_index, "loop_weight": loop_weight, "bias": bias, "k": k, "reverse": reverse}


def reference(x, edge_index, loop_weight, bias, k, reverse):
    c = k
    src = jnp.where(reverse, edge_index[1], edge_index[0])
    dst = jnp.where(reverse, edge_index[0], edge_index[1])
    # self-loop message: mobius_matvec(loop_weight, h, k)
    loop_message = _mobius_matvec(loop_weight, x, c)
    # propagate(): gather source features, mean-aggregate into dst nodes (RGCN message passing)
    msgs = jnp.take(x, src, axis=0)
    agg = jax.ops.segment_sum(msgs, dst, num_segments=N)
    deg = jax.ops.segment_sum(jnp.ones((E, 1), dtype=x.dtype), dst, num_segments=N)
    node_repr = agg / jnp.maximum(deg, 1.0)
    # bias: mobius_add(h, bias, k)
    node_repr = _mobius_add(node_repr, bias[None, :], c)
    # self_loop: mobius_add(h, loop_message, k)
    node_repr = _mobius_add(node_repr, loop_message, c)
    # activation
    node_repr = jax.nn.relu(node_repr)
    return node_repr

if __name__ == "__main__":
    import jax
    _d = setup_inputs()
    print(jax.jit(kernel)(*tuple(_d.values())))

</pallas_src>

<mosaic_0001>
#map = affine_map<(d0, d1) -> (0, 0, 0)>
#map1 = affine_map<(d0, d1) -> (0, 0)>
module attributes {stable_mosaic.version = 14 : i64} {
  func.func @sc_agg(%arg0: i32, %arg1: i32, %arg2: memref<2x10000x64xbf16, #tpu.memory_space<hbm>>, %arg3: memref<16x158x128xi32, #tpu.memory_space<hbm>>, %arg4: memref<16x158x128xi32, #tpu.memory_space<hbm>>, %arg5: memref<10240x128xf32, #tpu.memory_space<hbm>>, %arg6: memref<2x10240x16xf32, #tpu.memory_space<hbm>>, %arg7: memref<158x128xi32, #tpu.memory_space<vmem>>, %arg8: memref<158x128xi32, #tpu.memory_space<vmem>>, %arg9: memref<128x64xbf16, #tpu.memory_space<vmem>>, %arg10: memref<128x64xbf16, #tpu.memory_space<vmem>>, %arg11: memref<128x64xf32, #tpu.memory_space<vmem>>, %arg12: memref<128x64xf32, #tpu.memory_space<vmem>>, %arg13: memref<128x16xf32, #tpu.memory_space<vmem>>, %arg14: memref<64x16xf32, #tpu.memory_space<vmem>>, %arg15: memref<10240x64xf32, #tpu.memory_space<vmem_shared>>, %arg16: memref<10240x16xf32, #tpu.memory_space<vmem_shared>>, %arg17: memref<!tpu.dma_semaphore, #tpu.memory_space<semaphore_mem>>, %arg18: memref<!tpu.dma_semaphore, #tpu.memory_space<semaphore_mem>>) attributes {dimension_semantics = [#tpu.dimension_semantics<core_parallel>, #tpu.dimension_semantics<subcore_parallel>], iteration_bounds = array<i64: 2, 16>, scalar_prefetch = 0 : i64, scratch_operands = 12 : i64, tpu.core_type = #tpu.core_type<sc_vector_subcore>, window_params = [{transform_indices = #map}, {transform_indices = #map}, {transform_indices = #map}, {transform_indices = #map1}, {transform_indices = #map}]} {
    %mul3A = arith.constant 640 : i32
    %mul3A_0 = arith.muli %arg1, %mul3A : i32
    %broadcast_in_dim3A = arith.constant 0.000000e+00 : f32
    %broadcast_in_dim3A_1 = vector.broadcast %broadcast_in_dim3A : f32 to vector<16xf32>
    %broadcast_in_dim3A_2 = arith.constant 1.000000e+00 : f32
    %broadcast_in_dim3A_3 = vector.broadcast %broadcast_in_dim3A_2 : f32 to vector<16xf32>
    %scan3A = arith.constant 0 : i32
    %scan3A_4 = arith.constant 0 : i32
    %scan3A_5 = arith.constant 128 : i32
    %scan3A_6 = arith.addi %scan3A_4, %scan3A_5 : i32
    %scan3A_7 = arith.constant 1 : i32
    %scan3A_8 = scf.for %scan3A_75 = %scan3A_4 to %scan3A_6 step %scan3A_7 iter_args(%scan3A_76 = %scan3A) -> (i32)  : i32 {
      %swap3A = arith.index_cast %scan3A_75 : i32 to index
      %swap3A_77 = arith.constant 0 : index
      %swap3A_78 = tpu.vector_load %arg11[%swap3A, %swap3A_77] {strides = array<i32>} : memref<128x64xf32, #tpu.memory_space<vmem>>, vector<16xf32>,
      tpu.vector_store %arg11[%swap3A, %swap3A_77], %broadcast_in_dim3A_1 {strides = array<i32>} : memref<128x64xf32, #tpu.memory_space<vmem>>, vector<16xf32>,
      %swap3A_79 = arith.index_cast %scan3A_75 : i32 to index
      %swap3A_80 = arith.constant 16 : index
      %swap3A_81 = tpu.vector_load %arg11[%swap3A_79, %swap3A_80] {strides = array<i32>} : memref<128x64xf32, #tpu.memory_space<vmem>>, vector<16xf32>,
      tpu.vector_store %arg11[%swap3A_79, %swap3A_80], %broadcast_in_dim3A_1 {strides = array<i32>} : memref<128x64xf32, #tpu.memory_space<vmem>>, vector<16xf32>,
      %swap3A_82 = arith.index_cast %scan3A_75 : i32 to index
      %swap3A_83 = arith.constant 32 : index
      %swap3A_84 = tpu.vector_load %arg11[%swap3A_82, %swap3A_83] {strides = array<i32>} : memref<128x64xf32, #tpu.memory_space<vmem>>, vector<16xf32>,
      tpu.vector_store %arg11[%swap3A_82, %swap3A_83], %broadcast_in_dim3A_1 {strides = array<i32>} : memref<128x64xf32, #tpu.memory_space<vmem>>, vector<16xf32>,
      %swap3A_85 = arith.index_cast %scan3A_75 : i32 to index
      %swap3A_86 = arith.constant 48 : index
      %swap3A_87 = tpu.vector_load %arg11[%swap3A_85, %swap3A_86] {strides = array<i32>} : memref<128x64xf32, #tpu.memory_space<vmem>>, vector<16xf32>,
      tpu.vector_store %arg11[%swap3A_85, %swap3A_86], %broadcast_in_dim3A_1 {strides = array<i32>} : memref<128x64xf32, #tpu.memory_space<vmem>>, vector<16xf32>,
      %scan3A_88 = arith.constant 0 : i32
      scf.yield %scan3A_88 : i32
    }
    %scan3A_9 = arith.constant 128 : i32
    %scan3A_10 = arith.constant 0 : i32
    %scan3A_11 = arith.constant 0 : i32
    %scan3A_12 = arith.constant 64 : i32
    %scan3A_13 = arith.addi %scan3A_11, %scan3A_12 : i32
    %scan3A_14 = arith.constant 1 : i32
    %scan3A_15 = scf.for %scan3A_75 = %scan3A_11 to %scan3A_13 step %scan3A_14 iter_args(%scan3A_76 = %scan3A_10) -> (i32)  : i32 {
      %swap3A = arith.index_cast %scan3A_75 : i32 to index
      %swap3A_77 = arith.constant 0 : index
      %swap3A_78 = tpu.vector_load %arg14[%swap3A, %swap3A_77] {strides = array<i32>} : memref<64x16xf32, #tpu.memory_space<vmem>>, vector<16xf32>,
      tpu.vector_store %arg14[%swap3A, %swap3A_77], %broadcast_in_dim3A_1 {strides = array<i32>} : memref<64x16xf32, #tpu.memory_space<vmem>>, vector<16xf32>,
      %scan3A_79 = arith.constant 0 : i32
      scf.yield %scan3A_79 : i32
    }
    %scan3A_16 = arith.constant 64 : i32
    %scan3A_17 = arith.constant 0 : i32
    %scan3A_18 = arith.constant 0 : i32
    %scan3A_19 = arith.constant 128 : i32
    %scan3A_20 = arith.addi %scan3A_18, %scan3A_19 : i32
    %scan3A_21 = arith.constant 1 : i32
    %scan3A_22 = scf.for %scan3A_75 = %scan3A_18 to %scan3A_20 step %scan3A_21 iter_args(%scan3A_76 = %scan3A_17) -> (i32)  : i32 {
      %swap3A = arith.index_cast %scan3A_75 : i32 to index
      %swap3A_77 = arith.constant 0 : index
      %swap3A_78 = tpu.vector_load %arg13[%swap3A, %swap3A_77] {strides = array<i32>} : memref<128x16xf32, #tpu.memory_space<vmem>>, vector<16xf32>,
      tpu.vector_store %arg13[%swap3A, %swap3A_77], %broadcast_in_dim3A_3 {strides = array<i32>} : memref<128x16xf32, #tpu.memory_space<vmem>>, vector<16xf32>,
      %scan3A_79 = arith.constant 0 : i32
      scf.yield %scan3A_79 : i32
    }
    %scan3A_23 = arith.constant 128 : i32
    %add3A = arith.constant 0 : i32
    %add3A_24 = arith.addi %mul3A_0, %add3A : i32
    "tpu.region"() ({
      %run_scoped3A = tpu.sem_alloc : memref<!tpu.dma_semaphore, #tpu.memory_space<semaphore_mem>>
      %dma_start3A_75 = arith.constant 0 : i32
      %dma_start3A_76 = tpu.memref_slice %arg15[%add3A_24, %dma_start3A_75] : memref<10240x64xf32, #tpu.memory_space<vmem_shared>> -> memref<128x64xf32, #tpu.memory_space<vmem_shared>>
      %dma_start3A_77 = arith.constant 0 : i32
      %dma_start3A_78 = tpu.memref_slice %arg15[%add3A_24, %dma_start3A_77] : memref<10240x64xf32, #tpu.memory_space<vmem_shared>> -> memref<128x64xf32, #tpu.memory_space<vmem_shared>>
      tpu.enqueue_dma source(%arg11 : memref<128x64xf32, #tpu.memory_space<vmem>>) target(%dma_start3A_78 : memref<128x64xf32, #tpu.memory_space<vmem_shared>>) target_semaphore(%run_scoped3A : memref<!tpu.dma_semaphore, #tpu.memory_space<semaphore_mem>>)
      %dma_wait3A = arith.constant 0 : i32
      %dma_wait3A_79 = tpu.memref_slice %arg15[%add3A_24, %dma_wait3A] : memref<10240x64xf32, #tpu.memory_space<vmem_shared>> -> memref<128x64xf32, #tpu.memory_space<vmem_shared>>
      %dma_wait3A_80 = arith.constant 0 : i32
      %dma_wait3A_81 = tpu.memref_slice %arg15[%add3A_24, %dma_wait3A_80] : memref<10240x64xf32, #tpu.memory_space<vmem_shared>> -> memref<128x64xf32, #tpu.memory_space<vmem_shared>>
      tpu.wait_dma2 semaphore(%run_scoped3A : memref<!tpu.dma_semaphore, #tpu.memory_space<semaphore_mem>>) src(%arg11 : memref<128x64xf32, #tpu.memory_space<vmem>>) dst(%dma_wait3A_81 : memref<128x64xf32, #tpu.memory_space<vmem_shared>>)
      tpu.yield
    }) : () -> ()
    %add3A_25 = arith.constant 128 : i32
    %add3A_26 = arith.addi %mul3A_0, %add3A_25 : i32
    "tpu.region"() ({
      %run_scoped3A = tpu.sem_alloc : memref<!tpu.dma_semaphore, #tpu.memory_space<semaphore_mem>>
      %dma_start3A_75 = arith.constant 0 : i32
      %dma_start3A_76 = tpu.memref_slice %arg15[%add3A_26, %dma_start3A_75] : memref<10240x64xf32, #tpu.memory_space<vmem_shared>> -> memref<128x64xf32, #tpu.memory_space<vmem_shared>>
      %dma_start3A_77 = arith.constant 0 : i32
      %dma_start3A_78 = tpu.memref_slice %arg15[%add3A_26, %dma_start3A_77] : memref<10240x64xf32, #tpu.memory_space<vmem_shared>> -> memref<128x64xf32, #tpu.memory_space<vmem_shared>>
      tpu.enqueue_dma source(%arg11 : memref<128x64xf32, #tpu.memory_space<vmem>>) target(%dma_start3A_78 : memref<128x64xf32, #tpu.memory_space<vmem_shared>>) target_semaphore(%run_scoped3A : memref<!tpu.dma_semaphore, #tpu.memory_space<semaphore_mem>>)
      %dma_wait3A = arith.constant 0 : i32
      %dma_wait3A_79 = tpu.memref_slice %arg15[%add3A_26, %dma_wait3A] : memref<10240x64xf32, #tpu.memory_space<vmem_shared>> -> memref<128x64xf32, #tpu.memory_space<vmem_shared>>
      %dma_wait3A_80 = arith.constant 0 : i32
      %dma_wait3A_81 = tpu.memref_slice %arg15[%add3A_26, %dma_wait3A_80] : memref<10240x64xf32, #tpu.memory_space<vmem_shared>> -> memref<128x64xf32, #tpu.memory_space<vmem_shared>>
      tpu.wait_dma2 semaphore(%run_scoped3A : memref<!tpu.dma_semaphore, #tpu.memory_space<semaphore_mem>>) src(%arg11 : memref<128x64xf32, #tpu.memory_space<vmem>>) dst(%dma_wait3A_81 : memref<128x64xf32, #tpu.memory_space<vmem_shared>>)
      tpu.yield
    }) : () -> ()
    %add3A_27 = arith.constant 256 : i32
    %add3A_28 = arith.addi %mul3A_0, %add3A_27 : i32
    "tpu.region"() ({
      %run_scoped3A = tpu.sem_alloc : memref<!tpu.dma_semaphore, #tpu.memory_space<semaphore_mem>>
      %dma_start3A_75 = arith.constant 0 : i32
      %dma_start3A_76 = tpu.memref_slice %arg15[%add3A_28, %dma_start3A_75] : memref<10240x64xf32, #tpu.memory_space<vmem_shared>> -> memref<128x64xf32, #tpu.memory_space<vmem_shared>>
      %dma_start3A_77 = arith.constant 0 : i32
      %dma_start3A_78 = tpu.memref_slice %arg15[%add3A_28, %dma_start3A_77] : memref<10240x64xf32, #tpu.memory_space<vmem_shared>> -> memref<128x64xf32, #tpu.memory_space<vmem_shared>>
      tpu.enqueue_dma source(%arg11 : memref<128x64xf32, #tpu.memory_space<vmem>>) target(%dma_start3A_78 : memref<128x64xf32, #tpu.memory_space<vmem_shared>>) target_semaphore(%run_scoped3A : memref<!tpu.dma_semaphore, #tpu.memory_space<semaphore_mem>>)
      %dma_wait3A = arith.constant 0 : i32
      %dma_wait3A_79 = tpu.memref_slice %arg15[%add3A_28, %dma_wait3A] : memref<10240x64xf32, #tpu.memory_space<vmem_shared>> -> memref<128x64xf32, #tpu.memory_space<vmem_shared>>
      %dma_wait3A_80 = arith.constant 0 : i32
      %dma_wait3A_81 = tpu.memref_slice %arg15[%add3A_28, %dma_wait3A_80] : memref<10240x64xf32, #tpu.memory_space<vmem_shared>> -> memref<128x64xf32, #tpu.memory_space<vmem_shared>>
      tpu.wait_dma2 semaphore(%run_scoped3A : memref<!tpu.dma_semaphore, #tpu.memory_space<semaphore_mem>>) src(%arg11 : memref<128x64xf32, #tpu.memory_space<vmem>>) dst(%dma_wait3A_81 : memref<128x64xf32, #tpu.memory_space<vmem_shared>>)
      tpu.yield
    }) : () -> ()
    %add3A_29 = arith.constant 384 : i32
    %add3A_30 = arith.addi %mul3A_0, %add3A_29 : i32
    "tpu.region"() ({
      %run_scoped3A = tpu.sem_alloc : memref<!tpu.dma_semaphore, #tpu.memory_space<semaphore_mem>>
      %dma_start3A_75 = arith.constant 0 : i32
      %dma_start3A_76 = tpu.memref_slice %arg15[%add3A_30, %dma_start3A_75] : memref<10240x64xf32, #tpu.memory_space<vmem_shared>> -> memref<128x64xf32, #tpu.memory_space<vmem_shared>>
      %dma_start3A_77 = arith.constant 0 : i32
      %dma_start3A_78 = tpu.memref_slice %arg15[%add3A_30, %dma_start3A_77] : memref<10240x64xf32, #tpu.memory_space<vmem_shared>> -> memref<128x64xf32, #tpu.memory_space<vmem_shared>>
      tpu.enqueue_dma source(%arg11 : memref<128x64xf32, #tpu.memory_space<vmem>>) target(%dma_start3A_78 : memref<128x64xf32, #tpu.memory_space<vmem_shared>>) target_semaphore(%run_scoped3A : memref<!tpu.dma_semaphore, #tpu.memory_space<semaphore_mem>>)
      %dma_wait3A = arith.constant 0 : i32
      %dma_wait3A_79 = tpu.memref_slice %arg15[%add3A_30, %dma_wait3A] : memref<10240x64xf32, #tpu.memory_space<vmem_shared>> -> memref<128x64xf32, #tpu.memory_space<vmem_shared>>
      %dma_wait3A_80 = arith.constant 0 : i32
      %dma_wait3A_81 = tpu.memref_slice %arg15[%add3A_30, %dma_wait3A_80] : memref<10240x64xf32, #tpu.memory_space<vmem_shared>> -> memref<128x64xf32, #tpu.memory_space<vmem_shared>>
      tpu.wait_dma2 semaphore(%run_scoped3A : memref<!tpu.dma_semaphore, #tpu.memory_space<semaphore_mem>>) src(%arg11 : memref<128x64xf32, #tpu.memory_space<vmem>>) dst(%dma_wait3A_81 : memref<128x64xf32, #tpu.memory_space<vmem_shared>>)
      tpu.yield
    }) : () -> ()
    %add3A_31 = arith.constant 512 : i32
    %add3A_32 = arith.addi %mul3A_0, %add3A_31 : i32
    "tpu.region"() ({
      %run_scoped3A = tpu.sem_alloc : memref<!tpu.dma_semaphore, #tpu.memory_space<semaphore_mem>>
      %dma_start3A_75 = arith.constant 0 : i32
      %dma_start3A_76 = tpu.memref_slice %arg15[%add3A_32, %dma_start3A_75] : memref<10240x64xf32, #tpu.memory_space<vmem_shared>> -> memref<128x64xf32, #tpu.memory_space<vmem_shared>>
      %dma_start3A_77 = arith.constant 0 : i32
      %dma_start3A_78 = tpu.memref_slice %arg15[%add3A_32, %dma_start3A_77] : memref<10240x64xf32, #tpu.memory_space<vmem_shared>> -> memref<128x64xf32, #tpu.memory_space<vmem_shared>>
      tpu.enqueue_dma source(%arg11 : memref<128x64xf32, #tpu.memory_space<vmem>>) target(%dma_start3A_78 : memref<128x64xf32, #tpu.memory_space<vmem_shared>>) target_semaphore(%run_scoped3A : memref<!tpu.dma_semaphore, #tpu.memory_space<semaphore_mem>>)
      %dma_wait3A = arith.constant 0 : i32
      %dma_wait3A_79 = tpu.memref_slice %arg15[%add3A_32, %dma_wait3A] : memref<10240x64xf32, #tpu.memory_space<vmem_shared>> -> memref<128x64xf32, #tpu.memory_space<vmem_shared>>
      %dma_wait3A_80 = arith.constant 0 : i32
      %dma_wait3A_81 = tpu.memref_slice %arg15[%add3A_32, %dma_wait3A_80] : memref<10240x64xf32, #tpu.memory_space<vmem_shared>> -> memref<128x64xf32, #tpu.memory_space<vmem_shared>>
      tpu.wait_dma2 semaphore(%run_scoped3A : memref<!tpu.dma_semaphore, #tpu.memory_space<semaphore_mem>>) src(%arg11 : memref<128x64xf32, #tpu.memory_space<vmem>>) dst(%dma_wait3A_81 : memref<128x64xf32, #tpu.memory_space<vmem_shared>>)
      tpu.yield
    }) : () -> ()
    %add3A_33 = arith.constant 0 : i32
    %add3A_34 = arith.addi %mul3A_0, %add3A_33 : i32
    "tpu.region"() ({
      %run_scoped3A = tpu.sem_alloc : memref<!tpu.dma_semaphore, #tpu.memory_space<semaphore_mem>>
      %dma_start3A_75 = arith.constant 0 : i32
      %dma_start3A_76 = tpu.memref_slice %arg16[%add3A_34, %dma_start3A_75] : memref<10240x16xf32, #tpu.memory_space<vmem_shared>> -> memref<64x16xf32, #tpu.memory_space<vmem_shared>>
      %dma_start3A_77 = arith.constant 0 : i32
      %dma_start3A_78 = tpu.memref_slice %arg16[%add3A_34, %dma_start3A_77] : memref<10240x16xf32, #tpu.memory_space<vmem_shared>> -> memref<64x16xf32, #tpu.memory_space<vmem_shared>>
      tpu.enqueue_dma source(%arg14 : memref<64x16xf32, #tpu.memory_space<vmem>>) target(%dma_start3A_78 : memref<64x16xf32, #tpu.memory_space<vmem_shared>>) target_semaphore(%run_scoped3A : memref<!tpu.dma_semaphore, #tpu.memory_space<semaphore_mem>>)
      %dma_wait3A = arith.constant 0 : i32
      %dma_wait3A_79 = tpu.memref_slice %arg16[%add3A_34, %dma_wait3A] : memref<10240x16xf32, #tpu.memory_space<vmem_shared>> -> memref<64x16xf32, #tpu.memory_space<vmem_shared>>
      %dma_wait3A_80 = arith.constant 0 : i32
      %dma_wait3A_81 = tpu.memref_slice %arg16[%add3A_34, %dma_wait3A_80] : memref<10240x16xf32, #tpu.memory_space<vmem_shared>> -> memref<64x16xf32, #tpu.memory_space<vmem_shared>>
      tpu.wait_dma2 semaphore(%run_scoped3A : memref<!tpu.dma_semaphore, #tpu.memory_space<semaphore_mem>>) src(%arg14 : memref<64x16xf32, #tpu.memory_space<vmem>>) dst(%dma_wait3A_81 : memref<64x16xf32, #tpu.memory_space<vmem_shared>>)
      tpu.yield
    }) : () -> ()
    %add3A_35 = arith.constant 64 : i32
    %add3A_36 = arith.addi %mul3A_0, %add3A_35 : i32
    "tpu.region"() ({
      %run_scoped3A = tpu.sem_alloc : memref<!tpu.dma_semaphore, #tpu.memory_space<semaphore_mem>>
      %dma_start3A_75 = arith.constant 0 : i32
      %dma_start3A_76 = tpu.memref_slice %arg16[%add3A_36, %dma_start3A_75] : memref<10240x16xf32, #tpu.memory_space<vmem_shared>> -> memref<64x16xf32, #tpu.memory_space<vmem_shared>>
      %dma_start3A_77 = arith.constant 0 : i32
      %dma_start3A_78 = tpu.memref_slice %arg16[%add3A_36, %dma_start3A_77] : memref<10240x16xf32, #tpu.memory_space<vmem_shared>> -> memref<64x16xf32, #tpu.memory_space<vmem_shared>>
      tpu.enqueue_dma source(%arg14 : memref<64x16xf32, #tpu.memory_space<vmem>>) target(%dma_start3A_78 : memref<64x16xf32, #tpu.memory_space<vmem_shared>>) target_semaphore(%run_scoped3A : memref<!tpu.dma_semaphore, #tpu.memory_space<semaphore_mem>>)
      %dma_wait3A = arith.constant 0 : i32
      %dma_wait3A_79 = tpu.memref_slice %arg16[%add3A_36, %dma_wait3A] : memref<10240x16xf32, #tpu.memory_space<vmem_shared>> -> memref<64x16xf32, #tpu.memory_space<vmem_shared>>
      %dma_wait3A_80 = arith.constant 0 : i32
      %dma_wait3A_81 = tpu.memref_slice %arg16[%add3A_36, %dma_wait3A_80] : memref<10240x16xf32, #tpu.memory_space<vmem_shared>> -> memref<64x16xf32, #tpu.memory_space<vmem_shared>>
      tpu.wait_dma2 semaphore(%run_scoped3A : memref<!tpu.dma_semaphore, #tpu.memory_space<semaphore_mem>>) src(%arg14 : memref<64x16xf32, #tpu.memory_space<vmem>>) dst(%dma_wait3A_81 : memref<64x16xf32, #tpu.memory_space<vmem_shared>>)
      tpu.yield
    }) : () -> ()
    %add3A_37 = arith.constant 128 : i32
    %add3A_38 = arith.addi %mul3A_0, %add3A_37 : i32
    "tpu.region"() ({
      %run_scoped3A = tpu.sem_alloc : memref<!tpu.dma_semaphore, #tpu.memory_space<semaphore_mem>>
      %dma_start3A_75 = arith.constant 0 : i32
      %dma_start3A_76 = tpu.memref_slice %arg16[%add3A_38, %dma_start3A_75] : memref<10240x16xf32, #tpu.memory_space<vmem_shared>> -> memref<64x16xf32, #tpu.memory_space<vmem_shared>>
      %dma_start3A_77 = arith.constant 0 : i32
      %dma_start3A_78 = tpu.memref_slice %arg16[%add3A_38, %dma_start3A_77] : memref<10240x16xf32, #tpu.memory_space<vmem_shared>> -> memref<64x16xf32, #tpu.memory_space<vmem_shared>>
      tpu.enqueue_dma source(%arg14 : memref<64x16xf32, #tpu.memory_space<vmem>>) target(%dma_start3A_78 : memref<64x16xf32, #tpu.memory_space<vmem_shared>>) target_semaphore(%run_scoped3A : memref<!tpu.dma_semaphore, #tpu.memory_space<semaphore_mem>>)
      %dma_wait3A = arith.constant 0 : i32
      %dma_wait3A_79 = tpu.memref_slice %arg16[%add3A_38, %dma_wait3A] : memref<10240x16xf32, #tpu.memory_space<vmem_shared>> -> memref<64x16xf32, #tpu.memory_space<vmem_shared>>
      %dma_wait3A_80 = arith.constant 0 : i32
      %dma_wait3A_81 = tpu.memref_slice %arg16[%add3A_38, %dma_wait3A_80] : memref<10240x16xf32, #tpu.memory_space<vmem_shared>> -> memref<64x16xf32, #tpu.memory_space<vmem_shared>>
      tpu.wait_dma2 semaphore(%run_scoped3A : memref<!tpu.dma_semaphore, #tpu.memory_space<semaphore_mem>>) src(%arg14 : memref<64x16xf32, #tpu.memory_space<vmem>>) dst(%dma_wait3A_81 : memref<64x16xf32, #tpu.memory_space<vmem_shared>>)
      tpu.yield
    }) : () -> ()
    %add3A_39 = arith.constant 192 : i32
    %add3A_40 = arith.addi %mul3A_0, %add3A_39 : i32
    "tpu.region"() ({
      %run_scoped3A = tpu.sem_alloc : memref<!tpu.dma_semaphore, #tpu.memory_space<semaphore_mem>>
      %dma_start3A_75 = arith.constant 0 : i32
      %dma_start3A_76 = tpu.memref_slice %arg16[%add3A_40, %dma_start3A_75] : memref<10240x16xf32, #tpu.memory_space<vmem_shared>> -> memref<64x16xf32, #tpu.memory_space<vmem_shared>>
      %dma_start3A_77 = arith.constant 0 : i32
      %dma_start3A_78 = tpu.memref_slice %arg16[%add3A_40, %dma_start3A_77] : memref<10240x16xf32, #tpu.memory_space<vmem_shared>> -> memref<64x16xf32, #tpu.memory_space<vmem_shared>>
      tpu.enqueue_dma source(%arg14 : memref<64x16xf32, #tpu.memory_space<vmem>>) target(%dma_start3A_78 : memref<64x16xf32, #tpu.memory_space<vmem_shared>>) target_semaphore(%run_scoped3A : memref<!tpu.dma_semaphore, #tpu.memory_space<semaphore_mem>>)
      %dma_wait3A = arith.constant 0 : i32
      %dma_wait3A_79 = tpu.memref_slice %arg16[%add3A_40, %dma_wait3A] : memref<10240x16xf32, #tpu.memory_space<vmem_shared>> -> memref<64x16xf32, #tpu.memory_space<vmem_shared>>
      %dma_wait3A_80 = arith.constant 0 : i32
      %dma_wait3A_81 = tpu.memref_slice %arg16[%add3A_40, %dma_wait3A_80] : memref<10240x16xf32, #tpu.memory_space<vmem_shared>> -> memref<64x16xf32, #tpu.memory_space<vmem_shared>>
      tpu.wait_dma2 semaphore(%run_scoped3A : memref<!tpu.dma_semaphore, #tpu.memory_space<semaphore_mem>>) src(%arg14 : memref<64x16xf32, #tpu.memory_space<vmem>>) dst(%dma_wait3A_81 : memref<64x16xf32, #tpu.memory_space<vmem_shared>>)
      tpu.yield
    }) : () -> ()
    %add3A_41 = arith.constant 256 : i32
    %add3A_42 = arith.addi %mul3A_0, %add3A_41 : i32
    "tpu.region"() ({
      %run_scoped3A = tpu.sem_alloc : memref<!tpu.dma_semaphore, #tpu.memory_space<semaphore_mem>>
      %dma_start3A_75 = arith.constant 0 : i32
      %dma_start3A_76 = tpu.memref_slice %arg16[%add3A_42, %dma_start3A_75] : memref<10240x16xf32, #tpu.memory_space<vmem_shared>> -> memref<64x16xf32, #tpu.memory_space<vmem_shared>>
      %dma_start3A_77 = arith.constant 0 : i32
      %dma_start3A_78 = tpu.memref_slice %arg16[%add3A_42, %dma_start3A_77] : memref<10240x16xf32, #tpu.memory_space<vmem_shared>> -> memref<64x16xf32, #tpu.memory_space<vmem_shared>>
      tpu.enqueue_dma source(%arg14 : memref<64x16xf32, #tpu.memory_space<vmem>>) target(%dma_start3A_78 : memref<64x16xf32, #tpu.memory_space<vmem_shared>>) target_semaphore(%run_scoped3A : memref<!tpu.dma_semaphore, #tpu.memory_space<semaphore_mem>>)
      %dma_wait3A = arith.constant 0 : i32
      %dma_wait3A_79 = tpu.memref_slice %arg16[%add3A_42, %dma_wait3A] : memref<10240x16xf32, #tpu.memory_space<vmem_shared>> -> memref<64x16xf32, #tpu.memory_space<vmem_shared>>
      %dma_wait3A_80 = arith.constant 0 : i32
      %dma_wait3A_81 = tpu.memref_slice %arg16[%add3A_42, %dma_wait3A_80] : memref<10240x16xf32, #tpu.memory_space<vmem_shared>> -> memref<64x16xf32, #tpu.memory_space<vmem_shared>>
      tpu.wait_dma2 semaphore(%run_scoped3A : memref<!tpu.dma_semaphore, #tpu.memory_space<semaphore_mem>>) src(%arg14 : memref<64x16xf32, #tpu.memory_space<vmem>>) dst(%dma_wait3A_81 : memref<64x16xf32, #tpu.memory_space<vmem_shared>>)
      tpu.yield
    }) : () -> ()
    %add3A_43 = arith.constant 320 : i32
    %add3A_44 = arith.addi %mul3A_0, %add3A_43 : i32
    "tpu.region"() ({
      %run_scoped3A = tpu.sem_alloc : memref<!tpu.dma_semaphore, #tpu.memory_space<semaphore_mem>>
      %dma_start3A_75 = arith.constant 0 : i32
      %dma_start3A_76 = tpu.memref_slice %arg16[%add3A_44, %dma_start3A_75] : memref<10240x16xf32, #tpu.memory_space<vmem_shared>> -> memref<64x16xf32, #tpu.memory_space<vmem_shared>>
      %dma_start3A_77 = arith.constant 0 : i32
      %dma_start3A_78 = tpu.memref_slice %arg16[%add3A_44, %dma_start3A_77] : memref<10240x16xf32, #tpu.memory_space<vmem_shared>> -> memref<64x16xf32, #tpu.memory_space<vmem_shared>>
      tpu.enqueue_dma source(%arg14 : memref<64x16xf32, #tpu.memory_space<vmem>>) target(%dma_start3A_78 : memref<64x16xf32, #tpu.memory_space<vmem_shared>>) target_semaphore(%run_scoped3A : memref<!tpu.dma_semaphore, #tpu.memory_space<semaphore_mem>>)
      %dma_wait3A = arith.constant 0 : i32
      %dma_wait3A_79 = tpu.memref_slice %arg16[%add3A_44, %dma_wait3A] : memref<10240x16xf32, #tpu.memory_space<vmem_shared>> -> memref<64x16xf32, #tpu.memory_space<vmem_shared>>
      %dma_wait3A_80 = arith.constant 0 : i32
      %dma_wait3A_81 = tpu.memref_slice %arg16[%add3A_44, %dma_wait3A_80] : memref<10240x16xf32, #tpu.memory_space<vmem_shared>> -> memref<64x16xf32, #tpu.memory_space<vmem_shared>>
      tpu.wait_dma2 semaphore(%run_scoped3A : memref<!tpu.dma_semaphore, #tpu.memory_space<semaphore_mem>>) src(%arg14 : memref<64x16xf32, #tpu.memory_space<vmem>>) dst(%dma_wait3A_81 : memref<64x16xf32, #tpu.memory_space<vmem_shared>>)
      tpu.yield
    }) : () -> ()
    %add3A_45 = arith.constant 384 : i32
    %add3A_46 = arith.addi %mul3A_0, %add3A_45 : i32
    "tpu.region"() ({
      %run_scoped3A = tpu.sem_alloc : memref<!tpu.dma_semaphore, #tpu.memory_space<semaphore_mem>>
      %dma_start3A_75 = arith.constant 0 : i32
      %dma_start3A_76 = tpu.memref_slice %arg16[%add3A_46, %dma_start3A_75] : memref<10240x16xf32, #tpu.memory_space<vmem_shared>> -> memref<64x16xf32, #tpu.memory_space<vmem_shared>>
      %dma_start3A_77 = arith.constant 0 : i32
      %dma_start3A_78 = tpu.memref_slice %arg16[%add3A_46, %dma_start3A_77] : memref<10240x16xf32, #tpu.memory_space<vmem_shared>> -> memref<64x16xf32, #tpu.memory_space<vmem_shared>>
      tpu.enqueue_dma source(%arg14 : memref<64x16xf32, #tpu.memory_space<vmem>>) target(%dma_start3A_78 : memref<64x16xf32, #tpu.memory_space<vmem_shared>>) target_semaphore(%run_scoped3A : memref<!tpu.dma_semaphore, #tpu.memory_space<semaphore_mem>>)
      %dma_wait3A = arith.constant 0 : i32
      %dma_wait3A_79 = tpu.memref_slice %arg16[%add3A_46, %dma_wait3A] : memref<10240x16xf32, #tpu.memory_space<vmem_shared>> -> memref<64x16xf32, #tpu.memory_space<vmem_shared>>
      %dma_wait3A_80 = arith.constant 0 : i32
      %dma_wait3A_81 = tpu.memref_slice %arg16[%add3A_46, %dma_wait3A_80] : memref<10240x16xf32, #tpu.memory_space<vmem_shared>> -> memref<64x16xf32, #tpu.memory_space<vmem_shared>>
      tpu.wait_dma2 semaphore(%run_scoped3A : memref<!tpu.dma_semaphore, #tpu.memory_space<semaphore_mem>>) src(%arg14 : memref<64x16xf32, #tpu.memory_space<vmem>>) dst(%dma_wait3A_81 : memref<64x16xf32, #tpu.memory_space<vmem_shared>>)
      tpu.yield
    }) : () -> ()
    %add3A_47 = arith.constant 448 : i32
    %add3A_48 = arith.addi %mul3A_0, %add3A_47 : i32
    "tpu.region"() ({
      %run_scoped3A = tpu.sem_alloc : memref<!tpu.dma_semaphore, #tpu.memory_space<semaphore_mem>>
      %dma_start3A_75 = arith.constant 0 : i32
      %dma_start3A_76 = tpu.memref_slice %arg16[%add3A_48, %dma_start3A_75] : memref<10240x16xf32, #tpu.memory_space<vmem_shared>> -> memref<64x16xf32, #tpu.memory_space<vmem_shared>>
      %dma_start3A_77 = arith.constant 0 : i32
      %dma_start3A_78 = tpu.memref_slice %arg16[%add3A_48, %dma_start3A_77] : memref<10240x16xf32, #tpu.memory_space<vmem_shared>> -> memref<64x16xf32, #tpu.memory_space<vmem_shared>>
      tpu.enqueue_dma source(%arg14 : memref<64x16xf32, #tpu.memory_space<vmem>>) target(%dma_start3A_78 : memref<64x16xf32, #tpu.memory_space<vmem_shared>>) target_semaphore(%run_scoped3A : memref<!tpu.dma_semaphore, #tpu.memory_space<semaphore_mem>>)
      %dma_wait3A = arith.constant 0 : i32
      %dma_wait3A_79 = tpu.memref_slice %arg16[%add3A_48, %dma_wait3A] : memref<10240x16xf32, #tpu.memory_space<vmem_shared>> -> memref<64x16xf32, #tpu.memory_space<vmem_shared>>
      %dma_wait3A_80 = arith.constant 0 : i32
      %dma_wait3A_81 = tpu.memref_slice %arg16[%add3A_48, %dma_wait3A_80] : memref<10240x16xf32, #tpu.memory_space<vmem_shared>> -> memref<64x16xf32, #tpu.memory_space<vmem_shared>>
      tpu.wait_dma2 semaphore(%run_scoped3A : memref<!tpu.dma_semaphore, #tpu.memory_space<semaphore_mem>>) src(%arg14 : memref<64x16xf32, #tpu.memory_space<vmem>>) dst(%dma_wait3A_81 : memref<64x16xf32, #tpu.memory_space<vmem_shared>>)
      tpu.yield
    }) : () -> ()
    %add3A_49 = arith.constant 512 : i32
    %add3A_50 = arith.addi %mul3A_0, %add3A_49 : i32
    "tpu.region"() ({
      %run_scoped3A = tpu.sem_alloc : memref<!tpu.dma_semaphore, #tpu.memory_space<semaphore_mem>>
      %dma_start3A_75 = arith.constant 0 : i32
      %dma_start3A_76 = tpu.memref_slice %arg16[%add3A_50, %dma_start3A_75] : memref<10240x16xf32, #tpu.memory_space<vmem_shared>> -> memref<64x16xf32, #tpu.memory_space<vmem_shared>>
      %dma_start3A_77 = arith.constant 0 : i32
      %dma_start3A_78 = tpu.memref_slice %arg16[%add3A_50, %dma_start3A_77] : memref<10240x16xf32, #tpu.memory_space<vmem_shared>> -> memref<64x16xf32, #tpu.memory_space<vmem_shared>>
      tpu.enqueue_dma source(%arg14 : memref<64x16xf32, #tpu.memory_space<vmem>>) target(%dma_start3A_78 : memref<64x16xf32, #tpu.memory_space<vmem_shared>>) target_semaphore(%run_scoped3A : memref<!tpu.dma_semaphore, #tpu.memory_space<semaphore_mem>>)
      %dma_wait3A = arith.constant 0 : i32
      %dma_wait3A_79 = tpu.memref_slice %arg16[%add3A_50, %dma_wait3A] : memref<10240x16xf32, #tpu.memory_space<vmem_shared>> -> memref<64x16xf32, #tpu.memory_space<vmem_shared>>
      %dma_wait3A_80 = arith.constant 0 : i32
      %dma_wait3A_81 = tpu.memref_slice %arg16[%add3A_50, %dma_wait3A_80] : memref<10240x16xf32, #tpu.memory_space<vmem_shared>> -> memref<64x16xf32, #tpu.memory_space<vmem_shared>>
      tpu.wait_dma2 semaphore(%run_scoped3A : memref<!tpu.dma_semaphore, #tpu.memory_space<semaphore_mem>>) src(%arg14 : memref<64x16xf32, #tpu.memory_space<vmem>>) dst(%dma_wait3A_81 : memref<64x16xf32, #tpu.memory_space<vmem_shared>>)
      tpu.yield
    }) : () -> ()
    %add3A_51 = arith.constant 576 : i32
    %add3A_52 = arith.addi %mul3A_0, %add3A_51 : i32
    "tpu.region"() ({
      %run_scoped3A = tpu.sem_alloc : memref<!tpu.dma_semaphore, #tpu.memory_space<semaphore_mem>>
      %dma_start3A_75 = arith.constant 0 : i32
      %dma_start3A_76 = tpu.memref_slice %arg16[%add3A_52, %dma_start3A_75] : memref<10240x16xf32, #tpu.memory_space<vmem_shared>> -> memref<64x16xf32, #tpu.memory_space<vmem_shared>>
      %dma_start3A_77 = arith.constant 0 : i32
      %dma_start3A_78 = tpu.memref_slice %arg16[%add3A_52, %dma_start3A_77] : memref<10240x16xf32, #tpu.memory_space<vmem_shared>> -> memref<64x16xf32, #tpu.memory_space<vmem_shared>>
      tpu.enqueue_dma source(%arg14 : memref<64x16xf32, #tpu.memory_space<vmem>>) target(%dma_start3A_78 : memref<64x16xf32, #tpu.memory_space<vmem_shared>>) target_semaphore(%run_scoped3A : memref<!tpu.dma_semaphore, #tpu.memory_space<semaphore_mem>>)
      %dma_wait3A = arith.constant 0 : i32
      %dma_wait3A_79 = tpu.memref_slice %arg16[%add3A_52, %dma_wait3A] : memref<10240x16xf32, #tpu.memory_space<vmem_shared>> -> memref<64x16xf32, #tpu.memory_space<vmem_shared>>
      %dma_wait3A_80 = arith.constant 0 : i32
      %dma_wait3A_81 = tpu.memref_slice %arg16[%add3A_52, %dma_wait3A_80] : memref<10240x16xf32, #tpu.memory_space<vmem_shared>> -> memref<64x16xf32, #tpu.memory_space<vmem_shared>>
      tpu.wait_dma2 semaphore(%run_scoped3A : memref<!tpu.dma_semaphore, #tpu.memory_space<semaphore_mem>>) src(%arg14 : memref<64x16xf32, #tpu.memory_space<vmem>>) dst(%dma_wait3A_81 : memref<64x16xf32, #tpu.memory_space<vmem_shared>>)
      tpu.yield
    }) : () -> ()
    "tpu.region"() ({
      %run_scoped3A = tpu.sem_alloc : memref<!tpu.dma_semaphore, #tpu.memory_space<semaphore_mem>>
      %dma_start3A_75 = arith.constant 0 : i32
      %dma_start3A_76 = arith.constant 0 : i32
      %dma_start3A_77 = tpu.memref_slice %arg3[%arg1, %dma_start3A_75, %dma_start3A_76] : memref<16x158x128xi32, #tpu.memory_space<hbm>> -> memref<1x158x128xi32, #tpu.memory_space<hbm>>
      %dma_start3A_78 = tpu.memref_squeeze %dma_start3A_77 : memref<1x158x128xi32, #tpu.memory_space<hbm>> -> memref<158x128xi32, #tpu.memory_space<hbm>>
      %dma_start3A_79 = arith.constant 0 : i32
      %dma_start3A_80 = arith.constant 0 : i32
      %dma_start3A_81 = tpu.memref_slice %arg3[%arg1, %dma_start3A_79, %dma_start3A_80] : memref<16x158x128xi32, #tpu.memory_space<hbm>> -> memref<1x158x128xi32, #tpu.memory_space<hbm>>
      %dma_start3A_82 = tpu.memref_squeeze %dma_start3A_81 : memref<1x158x128xi32, #tpu.memory_space<hbm>> -> memref<158x128xi32, #tpu.memory_space<hbm>>
      tpu.enqueue_dma source(%dma_start3A_82 : memref<158x128xi32, #tpu.memory_space<hbm>>) target(%arg7 : memref<158x128xi32, #tpu.memory_space<vmem>>) target_semaphore(%run_scoped3A : memref<!tpu.dma_semaphore, #tpu.memory_space<semaphore_mem>>)
      %dma_wait3A = arith.constant 0 : i32
      %dma_wait3A_83 = arith.constant 0 : i32
      %dma_wait3A_84 = tpu.memref_slice %arg3[%arg1, %dma_wait3A, %dma_wait3A_83] : memref<16x158x128xi32, #tpu.memory_space<hbm>> -> memref<1x158x128xi32, #tpu.memory_space<hbm>>
      %dma_wait3A_85 = tpu.memref_squeeze %dma_wait3A_84 : memref<1x158x128xi32, #tpu.memory_space<hbm>> -> memref<158x128xi32, #tpu.memory_space<hbm>>
      %dma_wait3A_86 = arith.constant 0 : i32
      %dma_wait3A_87 = arith.constant 0 : i32
      %dma_wait3A_88 = tpu.memref_slice %arg3[%arg1, %dma_wait3A_86, %dma_wait3A_87] : memref<16x158x128xi32, #tpu.memory_space<hbm>> -> memref<1x158x128xi32, #tpu.memory_space<hbm>>
      %dma_wait3A_89 = tpu.memref_squeeze %dma_wait3A_88 : memref<1x158x128xi32, #tpu.memory_space<hbm>> -> memref<158x128xi32, #tpu.memory_space<hbm>>
      tpu.wait_dma2 semaphore(%run_scoped3A : memref<!tpu.dma_semaphore, #tpu.memory_space<semaphore_mem>>) src(%dma_wait3A_89 : memref<158x128xi32, #tpu.memory_space<hbm>>) dst(%arg7 : memref<158x128xi32, #tpu.memory_space<vmem>>)
      tpu.yield
    }) : () -> ()
    "tpu.region"() ({
      %run_scoped3A = tpu.sem_alloc : memref<!tpu.dma_semaphore, #tpu.memory_space<semaphore_mem>>
      %dma_start3A_75 = arith.constant 0 : i32
      %dma_start3A_76 = arith.constant 0 : i32
      %dma_start3A_77 = tpu.memref_slice %arg4[%arg1, %dma_start3A_75, %dma_start3A_76] : memref<16x158x128xi32, #tpu.memory_space<hbm>> -> memref<1x158x128xi32, #tpu.memory_space<hbm>>
      %dma_start3A_78 = tpu.memref_squeeze %dma_start3A_77 : memref<1x158x128xi32, #tpu.memory_space<hbm>> -> memref<158x128xi32, #tpu.memory_space<hbm>>
      %dma_start3A_79 = arith.constant 0 : i32
      %dma_start3A_80 = arith.constant 0 : i32
      %dma_start3A_81 = tpu.memref_slice %arg4[%arg1, %dma_start3A_79, %dma_start3A_80] : memref<16x158x128xi32, #tpu.memory_space<hbm>> -> memref<1x158x128xi32, #tpu.memory_space<hbm>>
      %dma_start3A_82 = tpu.memref_squeeze %dma_start3A_81 : memref<1x158x128xi32, #tpu.memory_space<hbm>> -> memref<158x128xi32, #tpu.memory_space<hbm>>
      tpu.enqueue_dma source(%dma_start3A_82 : memref<158x128xi32, #tpu.memory_space<hbm>>) target(%arg8 : memref<158x128xi32, #tpu.memory_space<vmem>>) target_semaphore(%run_scoped3A : memref<!tpu.dma_semaphore, #tpu.memory_space<semaphore_mem>>)
      %dma_wait3A = arith.constant 0 : i32
      %dma_wait3A_83 = arith.constant 0 : i32
      %dma_wait3A_84 = tpu.memref_slice %arg4[%arg1, %dma_wait3A, %dma_wait3A_83] : memref<16x158x128xi32, #tpu.memory_space<hbm>> -> memref<1x158x128xi32, #tpu.memory_space<hbm>>
      %dma_wait3A_85 = tpu.memref_squeeze %dma_wait3A_84 : memref<1x158x128xi32, #tpu.memory_space<hbm>> -> memref<158x128xi32, #tpu.memory_space<hbm>>
      %dma_wait3A_86 = arith.constant 0 : i32
      %dma_wait3A_87 = arith.constant 0 : i32
      %dma_wait3A_88 = tpu.memref_slice %arg4[%arg1, %dma_wait3A_86, %dma_wait3A_87] : memref<16x158x128xi32, #tpu.memory_space<hbm>> -> memref<1x158x128xi32, #tpu.memory_space<hbm>>
      %dma_wait3A_89 = tpu.memref_squeeze %dma_wait3A_88 : memref<1x158x128xi32, #tpu.memory_space<hbm>> -> memref<158x128xi32, #tpu.memory_space<hbm>>
      tpu.wait_dma2 semaphore(%run_scoped3A : memref<!tpu.dma_semaphore, #tpu.memory_space<semaphore_mem>>) src(%dma_wait3A_89 : memref<158x128xi32, #tpu.memory_space<hbm>>) dst(%arg8 : memref<158x128xi32, #tpu.memory_space<vmem>>)
      tpu.yield
    }) : () -> ()
    %barrier3A = arith.constant 0 : index
    tpu.barrier barrier_id(%barrier3A)
    %broadcast_in_dim3A_53 = arith.constant -65536 : i32
    %broadcast_in_dim3A_54 = vector.broadcast %broadcast_in_dim3A_53 : i32 to vector<16xi32>
    %dma_start3A = arith.constant 0 : i32
    %dma_start3A_55 = arith.constant 0 : i32
    %dma_start3A_56 = tpu.memref_slice %arg7[%dma_start3A, %dma_start3A_55] : memref<158x128xi32, #tpu.memory_space<vmem>> -> memref<1x128xi32, #tpu.memory_space<vmem>>
    %dma_start3A_57 = tpu.memref_squeeze %dma_start3A_56 : memref<1x128xi32, #tpu.memory_space<vmem>> -> memref<128xi32, #tpu.memory_space<vmem>>
    %dma_start3A_58 = arith.constant 0 : i32
    %dma_start3A_59 = arith.constant 0 : i32
    %dma_start3A_60 = tpu.memref_slice %arg2[%arg0, %dma_start3A_58, %dma_start3A_59] : memref<2x10000x64xbf16, #tpu.memory_space<hbm>> -> memref<1x10000x64xbf16, #tpu.memory_space<hbm>>
    %dma_start3A_61 = tpu.memref_squeeze %dma_start3A_60 : memref<1x10000x64xbf16, #tpu.memory_space<hbm>> -> memref<10000x64xbf16, #tpu.memory_space<hbm>>
    %dma_start3A_62 = arith.constant 0 : i32
    %dma_start3A_63 = arith.constant 0 : i32
    %dma_start3A_64 = tpu.memref_slice %dma_start3A_61[%dma_start3A_62, %dma_start3A_63] : memref<10000x64xbf16, #tpu.memory_space<hbm>> -> memref<10000x64xbf16, #tpu.memory_space<hbm>>
    tpu.enqueue_indirect_dma source(%dma_start3A_64 : memref<10000x64xbf16, #tpu.memory_space<hbm>>) target(%arg9 : memref<128x64xbf16, #tpu.memory_space<vmem>>) offsets(%dma_start3A_57 : memref<128xi32, #tpu.memory_space<vmem>>) semaphore(%arg17 : memref<!tpu.dma_semaphore, #tpu.memory_space<semaphore_mem>>)
    %scan3A_65 = arith.constant 0 : i32
    %scan3A_66 = arith.constant 0 : i32
    %scan3A_67 = arith.constant 79 : i32
    %scan3A_68 = arith.addi %scan3A_66, %scan3A_67 : i32
    %scan3A_69 = arith.constant 1 : i32
    %scan3A_70 = scf.for %scan3A_75 = %scan3A_66 to %scan3A_68 step %scan3A_69 iter_args(%scan3A_76 = %scan3A_65) -> (i32)  : i32 {
      %mul3A_77 = arith.constant 2 : i32
      %mul3A_78 = arith.muli %mul3A_77, %scan3A_75 : i32
      %add3A_79 = arith.constant 1 : i32
      %add3A_80 = arith.addi %mul3A_78, %add3A_79 : i32
      %dma_start3A_81 = arith.constant 0 : i32
      %dma_start3A_82 = tpu.memref_slice %arg7[%add3A_80, %dma_start3A_81] : memref<158x128xi32, #tpu.memory_space<vmem>> -> memref<1x128xi32, #tpu.memory_space<vmem>>
      %dma_start3A_83 = tpu.memref_squeeze %dma_start3A_82 : memref<1x128xi32, #tpu.memory_space<vmem>> -> memref<128xi32, #tpu.memory_space<vmem>>
      %dma_start3A_84 = arith.constant 0 : i32
      %dma_start3A_85 = arith.constant 0 : i32
      %dma_start3A_86 = tpu.memref_slice %arg2[%arg0, %dma_start3A_84, %dma_start3A_85] : memref<2x10000x64xbf16, #tpu.memory_space<hbm>> -> memref<1x10000x64xbf16, #tpu.memory_space<hbm>>
      %dma_start3A_87 = tpu.memref_squeeze %dma_start3A_86 : memref<1x10000x64xbf16, #tpu.memory_space<hbm>> -> memref<10000x64xbf16, #tpu.memory_space<hbm>>
      %dma_start3A_88 = arith.constant 0 : i32
      %dma_start3A_89 = arith.constant 0 : i32
      %dma_start3A_90 = tpu.memref_slice %dma_start3A_87[%dma_start3A_88, %dma_start3A_89] : memref<10000x64xbf16, #tpu.memory_space<hbm>> -> memref<10000x64xbf16, #tpu.memory_space<hbm>>
      tpu.enqueue_indirect_dma source(%dma_start3A_90 : memref<10000x64xbf16, #tpu.memory_space<hbm>>) target(%arg10 : memref<128x64xbf16, #tpu.memory_space<vmem>>) offsets(%dma_start3A_83 : memref<128xi32, #tpu.memory_space<vmem>>) semaphore(%arg18 : memref<!tpu.dma_semaphore, #tpu.memory_space<semaphore_mem>>)
      %dma_wait3A = arith.constant 0 : i32
      %dma_wait3A_91 = tpu.memref_slice %arg7[%mul3A_78, %dma_wait3A] : memref<158x128xi32, #tpu.memory_space<vmem>> -> memref<1x128xi32, #tpu.memory_space<vmem>>
      %dma_wait3A_92 = tpu.memref_squeeze %dma_wait3A_91 : memref<1x128xi32, #tpu.memory_space<vmem>> -> memref<128xi32, #tpu.memory_space<vmem>>
      %dma_wait3A_93 = arith.constant 0 : i32
      %dma_wait3A_94 = arith.constant 0 : i32
      %dma_wait3A_95 = tpu.memref_slice %arg2[%arg0, %dma_wait3A_93, %dma_wait3A_94] : memref<2x10000x64xbf16, #tpu.memory_space<hbm>> -> memref<1x10000x64xbf16, #tpu.memory_space<hbm>>
      %dma_wait3A_96 = tpu.memref_squeeze %dma_wait3A_95 : memref<1x10000x64xbf16, #tpu.memory_space<hbm>> -> memref<10000x64xbf16, #tpu.memory_space<hbm>>
      %dma_wait3A_97 = arith.constant 0 : i32
      %dma_wait3A_98 = arith.constant 0 : i32
      %dma_wait3A_99 = tpu.memref_slice %dma_wait3A_96[%dma_wait3A_97, %dma_wait3A_98] : memref<10000x64xbf16, #tpu.memory_space<hbm>> -> memref<10000x64xbf16, #tpu.memory_space<hbm>>
      tpu.wait_indirect_dma semaphore(%arg17 : memref<!tpu.dma_semaphore, #tpu.memory_space<semaphore_mem>>) src(%dma_wait3A_99 : memref<10000x64xbf16, #tpu.memory_space<hbm>>) dst(%arg9 : memref<128x64xbf16, #tpu.memory_space<vmem>>)
      %scan3A_100 = arith.constant 0 : i32
      %scan3A_101 = arith.constant 0 : i32
      %scan3A_102 = arith.constant 128 : i32
      %scan3A_103 = arith.addi %scan3A_101, %scan3A_102 : i32
      %scan3A_104 = arith.constant 1 : i32
      %scan3A_105 = scf.for %scan3A_142 = %scan3A_101 to %scan3A_103 step %scan3A_104 iter_args(%scan3A_143 = %scan3A_100) -> (i32)  : i32 {
        %get3A = arith.index_cast %scan3A_142 : i32 to index
        %get3A_144 = arith.constant 0 : index
        %get3A_145 = tpu.vector_load %arg9[%get3A, %get3A_144] {strides = array<i32>} : memref<128x64xbf16, #tpu.memory_space<vmem>>, vector<32xbf16>,
        %bitcast3A = vector.bitcast %get3A_145 : vector<32xbf16> to vector<16xi32>
        %shift_left3A = arith.constant 16 : i32
        %shift_left3A_146 = vector.broadcast %shift_left3A : i32 to vector<16xi32>
        %shift_left3A_147 = arith.shli %bitcast3A, %shift_left3A_146 : vector<16xi32>
        %bitcast3A_148 = vector.bitcast %shift_left3A_147 : vector<16xi32> to vector<16xf32>
        %and3A = arith.andi %bitcast3A, %broadcast_in_dim3A_54 : vector<16xi32>
        %bitcast3A_149 = vector.bitcast %and3A : vector<16xi32> to vector<16xf32>
        %swap3A = arith.index_cast %scan3A_142 : i32 to index
        %swap3A_150 = arith.constant 0 : index
        %swap3A_151 = tpu.vector_load %arg11[%swap3A, %swap3A_150] {strides = array<i32>} : memref<128x64xf32, #tpu.memory_space<vmem>>, vector<16xf32>,
        tpu.vector_store %arg11[%swap3A, %swap3A_150], %bitcast3A_148 {strides = array<i32>} : memref<128x64xf32, #tpu.memory_space<vmem>>, vector<16xf32>,
        %swap3A_152 = arith.index_cast %scan3A_142 : i32 to index
        %swap3A_153 = arith.constant 16 : index
        %swap3A_154 = tpu.vector_load %arg11[%swap3A_152, %swap3A_153] {strides = array<i32>} : memref<128x64xf32, #tpu.memory_space<vmem>>, vector<16xf32>,
        tpu.vector_store %arg11[%swap3A_152, %swap3A_153], %bitcast3A_149 {strides = array<i32>} : memref<128x64xf32, #tpu.memory_space<vmem>>, vector<16xf32>,
        %get3A_155 = arith.index_cast %scan3A_142 : i32 to index
        %get3A_156 = arith.constant 32 : index
        %get3A_157 = tpu.vector_load %arg9[%get3A_155, %get3A_156] {strides = array<i32>} : memref<128x64xbf16, #tpu.memory_space<vmem>>, vector<32xbf16>,
        %bitcast3A_158 = vector.bitcast %get3A_157 : vector<32xbf16> to vector<16xi32>
        %shift_left3A_159 = arith.constant 16 : i32
        %shift_left3A_160 = vector.broadcast %shift_left3A_159 : i32 to vector<16xi32>
        %shift_left3A_161 = arith.shli %bitcast3A_158, %shift_left3A_160 : vector<16xi32>
        %bitcast3A_162 = vector.bitcast %shift_left3A_161 : vector<16xi32> to vector<16xf32>
        %and3A_163 = arith.andi %bitcast3A_158, %broadcast_in_dim3A_54 : vector<16xi32>
        %bitcast3A_164 = vector.bitcast %and3A_163 : vector<16xi32> to vector<16xf32>
        %swap3A_165 = arith.index_cast %scan3A_142 : i32 to index
        %swap3A_166 = arith.constant 32 : index
        %swap3A_167 = tpu.vector_load %arg11[%swap3A_165, %swap3A_166] {strides = array<i32>} : memref<128x64xf32, #tpu.memory_space<vmem>>, vector<16xf32>,
        tpu.vector_store %arg11[%swap3A_165, %swap3A_166], %bitcast3A_162 {strides = array<i32>} : memref<128x64xf32, #tpu.memory_space<vmem>>, vector<16xf32>,
        %swap3A_168 = arith.index_cast %scan3A_142 : i32 to index
        %swap3A_169 = arith.constant 48 : index
        %swap3A_170 = tpu.vector_load %arg11[%swap3A_168, %swap3A_169] {strides = array<i32>} : memref<128x64xf32, #tpu.memory_space<vmem>>, vector<16xf32>,
        tpu.vector_store %arg11[%swap3A_168, %swap3A_169], %bitcast3A_164 {strides = array<i32>} : memref<128x64xf32, #tpu.memory_space<vmem>>, vector<16xf32>,
        %scan3A_171 = arith.constant 0 : i32
        scf.yield %scan3A_171 : i32
      }
      %scan3A_106 = arith.constant 128 : i32
      "tpu.region"() ({
        %run_scoped3A = tpu.sem_alloc : memref<!tpu.dma_semaphore, #tpu.memory_space<semaphore_mem>>
        %dma_start3A_142 = arith.constant 0 : i32
        %dma_start3A_143 = tpu.memref_slice %arg8[%mul3A_78, %dma_start3A_142] : memref<158x128xi32, #tpu.memory_space<vmem>> -> memref<1x128xi32, #tpu.memory_space<vmem>>
        %dma_start3A_144 = tpu.memref_squeeze %dma_start3A_143 : memref<1x128xi32, #tpu.memory_space<vmem>> -> memref<128xi32, #tpu.memory_space<vmem>>
        %dma_start3A_145 = arith.constant 0 : i32
        %dma_start3A_146 = arith.constant 0 : i32
        %dma_start3A_147 = tpu.memref_slice %arg15[%dma_start3A_145, %dma_start3A_146] : memref<10240x64xf32, #tpu.memory_space<vmem_shared>> -> memref<10240x64xf32, #tpu.memory_space<vmem_shared>>
        tpu.enqueue_indirect_dma source(%arg11 : memref<128x64xf32, #tpu.memory_space<vmem>>) target(%dma_start3A_147 : memref<10240x64xf32, #tpu.memory_space<vmem_shared>>) offsets(%dma_start3A_144 : memref<128xi32, #tpu.memory_space<vmem>>) semaphore(%run_scoped3A : memref<!tpu.dma_semaphore, #tpu.memory_space<semaphore_mem>>) {add = true}
        %dma_wait3A_148 = arith.constant 0 : i32
        %dma_wait3A_149 = tpu.memref_slice %arg8[%mul3A_78, %dma_wait3A_148] : memref<158x128xi32, #tpu.memory_space<vmem>> -> memref<1x128xi32, #tpu.memory_space<vmem>>
        %dma_wait3A_150 = tpu.memref_squeeze %dma_wait3A_149 : memref<1x128xi32, #tpu.memory_space<vmem>> -> memref<128xi32, #tpu.memory_space<vmem>>
        %dma_wait3A_151 = arith.constant 0 : i32
        %dma_wait3A_152 = arith.constant 0 : i32
        %dma_wait3A_153 = tpu.memref_slice %arg15[%dma_wait3A_151, %dma_wait3A_152] : memref<10240x64xf32, #tpu.memory_space<vmem_shared>> -> memref<10240x64xf32, #tpu.memory_space<vmem_shared>>
        tpu.wait_indirect_dma semaphore(%run_scoped3A : memref<!tpu.dma_semaphore, #tpu.memory_space<semaphore_mem>>) src(%arg11 : memref<128x64xf32, #tpu.memory_space<vmem>>) dst(%dma_wait3A_153 : memref<10240x64xf32, #tpu.memory_space<vmem_shared>>)
        tpu.yield
      }) : () -> ()
      %eq3A = arith.constant 0 : i32
      %eq3A_107 = arith.cmpi eq, %arg0, %eq3A : i32
      %convert_element_type3A = arith.extui %eq3A_107 : i1 to i32
      %cond3A = arith.constant 0 : i32
      %cond3A_108 = arith.cmpi ne, %convert_element_type3A, %cond3A : i32
      scf.if %cond3A_108 {
        "tpu.region"() ({
          %run_scoped3A = tpu.sem_alloc : memref<!tpu.dma_semaphore, #tpu.memory_space<semaphore_mem>>
          %dma_start3A_142 = arith.constant 0 : i32
          %dma_start3A_143 = tpu.memref_slice %arg8[%mul3A_78, %dma_start3A_142] : memref<158x128xi32, #tpu.memory_space<vmem>> -> memref<1x128xi32, #tpu.memory_space<vmem>>
          %dma_start3A_144 = tpu.memref_squeeze %dma_start3A_143 : memref<1x128xi32, #tpu.memory_space<vmem>> -> memref<128xi32, #tpu.memory_space<vmem>>
          %dma_start3A_145 = arith.constant 0 : i32
          %dma_start3A_146 = arith.constant 0 : i32
          %dma_start3A_147 = tpu.memref_slice %arg16[%dma_start3A_145, %dma_start3A_146] : memref<10240x16xf32, #tpu.memory_space<vmem_shared>> -> memref<10240x16xf32, #tpu.memory_space<vmem_shared>>
          tpu.enqueue_indirect_dma source(%arg13 : memref<128x16xf32, #tpu.memory_space<vmem>>) target(%dma_start3A_147 : memref<10240x16xf32, #tpu.memory_space<vmem_shared>>) offsets(%dma_start3A_144 : memref<128xi32, #tpu.memory_space<vmem>>) semaphore(%run_scoped3A : memref<!tpu.dma_semaphore, #tpu.memory_space<semaphore_mem>>) {add = true}
          %dma_wait3A_148 = arith.constant 0 : i32
          %dma_wait3A_149 = tpu.memref_slice %arg8[%mul3A_78, %dma_wait3A_148] : memref<158x128xi32, #tpu.memory_space<vmem>> -> memref<1x128xi32, #tpu.memory_space<vmem>>
          %dma_wait3A_150 = tpu.memref_squeeze %dma_wait3A_149 : memref<1x128xi32, #tpu.memory_space<vmem>> -> memref<128xi32, #tpu.memory_space<vmem>>
          %dma_wait3A_151 = arith.constant 0 : i32
          %dma_wait3A_152 = arith.constant 0 : i32
          %dma_wait3A_153 = tpu.memref_slice %arg16[%dma_wait3A_151, %dma_wait3A_152] : memref<10240x16xf32, #tpu.memory_space<vmem_shared>> -> memref<10240x16xf32, #tpu.memory_space<vmem_shared>>
          tpu.wait_indirect_dma semaphore(%run_scoped3A : memref<!tpu.dma_semaphore, #tpu.memory_space<semaphore_mem>>) src(%arg13 : memref<128x16xf32, #tpu.memory_space<vmem>>) dst(%dma_wait3A_153 : memref<10240x16xf32, #tpu.memory_space<vmem_shared>>)
          tpu.yield
        }) : () -> ()
      } else {
      }
      %add3A_109 = arith.constant 2 : i32
      %add3A_110 = arith.addi %mul3A_78, %add3A_109 : i32
      %lt3A = arith.constant 158 : i32
      %lt3A_111 = arith.cmpi slt, %add3A_110, %lt3A : i32
      %convert_element_type3A_112 = arith.extui %lt3A_111 : i1 to i32
      %cond3A_113 = arith.constant 0 : i32
      %cond3A_114 = arith.cmpi ne, %convert_element_type3A_112, %cond3A_113 : i32
      scf.if %cond3A_114 {
        %add3A_142 = arith.constant 2 : i32
        %add3A_143 = arith.addi %mul3A_78, %add3A_142 : i32
        %dma_start3A_144 = arith.constant 0 : i32
        %dma_start3A_145 = tpu.memref_slice %arg7[%add3A_143, %dma_start3A_144] : memref<158x128xi32, #tpu.memory_space<vmem>> -> memref<1x128xi32, #tpu.memory_space<vmem>>
        %dma_start3A_146 = tpu.memref_squeeze %dma_start3A_145 : memref<1x128xi32, #tpu.memory_space<vmem>> -> memref<128xi32, #tpu.memory_space<vmem>>
        %dma_start3A_147 = arith.constant 0 : i32
        %dma_start3A_148 = arith.constant 0 : i32
        %dma_start3A_149 = tpu.memref_slice %arg2[%arg0, %dma_start3A_147, %dma_start3A_148] : memref<2x10000x64xbf16, #tpu.memory_space<hbm>> -> memref<1x10000x64xbf16, #tpu.memory_space<hbm>>
        %dma_start3A_150 = tpu.memref_squeeze %dma_start3A_149 : memref<1x10000x64xbf16, #tpu.memory_space<hbm>> -> memref<10000x64xbf16, #tpu.memory_space<hbm>>
        %dma_start3A_151 = arith.constant 0 : i32
        %dma_start3A_152 = arith.constant 0 : i32
        %dma_start3A_153 = tpu.memref_slice %dma_start3A_150[%dma_start3A_151, %dma_start3A_152] : memref<10000x64xbf16, #tpu.memory_space<hbm>> -> memref<10000x64xbf16, #tpu.memory_space<hbm>>
        tpu.enqueue_indirect_dma source(%dma_start3A_153 : memref<10000x64xbf16, #tpu.memory_space<hbm>>) target(%arg9 : memref<128x64xbf16, #tpu.memory_space<vmem>>) offsets(%dma_start3A_146 : memref<128xi32, #tpu.memory_space<vmem>>) semaphore(%arg17 : memref<!tpu.dma_semaphore, #tpu.memory_space<semaphore_mem>>)
      } else {
      }
      %add3A_115 = arith.constant 1 : i32
      %add3A_116 = arith.addi %mul3A_78, %add3A_115 : i32
      %dma_wait3A_117 = arith.constant 0 : i32
      %dma_wait3A_118 = tpu.memref_slice %arg7[%add3A_116, %dma_wait3A_117] : memref<158x128xi32, #tpu.memory_space<vmem>> -> memref<1x128xi32, #tpu.memory_space<vmem>>
      %dma_wait3A_119 = tpu.memref_squeeze %dma_wait3A_118 : memref<1x128xi32, #tpu.memory_space<vmem>> -> memref<128xi32, #tpu.memory_space<vmem>>
      %dma_wait3A_120 = arith.constant 0 : i32
      %dma_wait3A_121 = arith.constant 0 : i32
      %dma_wait3A_122 = tpu.memref_slice %arg2[%arg0, %dma_wait3A_120, %dma_wait3A_121] : memref<2x10000x64xbf16, #tpu.memory_space<hbm>> -> memref<1x10000x64xbf16, #tpu.memory_space<hbm>>
      %dma_wait3A_123 = tpu.memref_squeeze %dma_wait3A_122 : memref<1x10000x64xbf16, #tpu.memory_space<hbm>> -> memref<10000x64xbf16, #tpu.memory_space<hbm>>
      %dma_wait3A_124 = arith.constant 0 : i32
      %dma_wait3A_125 = arith.constant 0 : i32
      %dma_wait3A_126 = tpu.memref_slice %dma_wait3A_123[%dma_wait3A_124, %dma_wait3A_125] : memref<10000x64xbf16, #tpu.memory_space<hbm>> -> memref<10000x64xbf16, #tpu.memory_space<hbm>>
      tpu.wait_indirect_dma semaphore(%arg18 : memref<!tpu.dma_semaphore, #tpu.memory_space<semaphore_mem>>) src(%dma_wait3A_126 : memref<10000x64xbf16, #tpu.memory_space<hbm>>) dst(%arg10 : memref<128x64xbf16, #tpu.memory_space<vmem>>)
      %scan3A_127 = arith.constant 0 : i32
      %scan3A_128 = arith.constant 0 : i32
      %scan3A_129 = arith.constant 128 : i32
      %scan3A_130 = arith.addi %scan3A_128, %scan3A_129 : i32
      %scan3A_131 = arith.constant 1 : i32
      %scan3A_132 = scf.for %scan3A_142 = %scan3A_128 to %scan3A_130 step %scan3A_131 iter_args(%scan3A_143 = %scan3A_127) -> (i32)  : i32 {
        %get3A = arith.index_cast %scan3A_142 : i32 to index
        %get3A_144 = arith.constant 0 : index
        %get3A_145 = tpu.vector_load %arg10[%get3A, %get3A_144] {strides = array<i32>} : memref<128x64xbf16, #tpu.memory_space<vmem>>, vector<32xbf16>,
        %bitcast3A = vector.bitcast %get3A_145 : vector<32xbf16> to vector<16xi32>
        %shift_left3A = arith.constant 16 : i32
        %shift_left3A_146 = vector.broadcast %shift_left3A : i32 to vector<16xi32>
        %shift_left3A_147 = arith.shli %bitcast3A, %shift_left3A_146 : vector<16xi32>
        %bitcast3A_148 = vector.bitcast %shift_left3A_147 : vector<16xi32> to vector<16xf32>
        %and3A = arith.andi %bitcast3A, %broadcast_in_dim3A_54 : vector<16xi32>
        %bitcast3A_149 = vector.bitcast %and3A : vector<16xi32> to vector<16xf32>
        %swap3A = arith.index_cast %scan3A_142 : i32 to index
        %swap3A_150 = arith.constant 0 : index
        %swap3A_151 = tpu.vector_load %arg12[%swap3A, %swap3A_150] {strides = array<i32>} : memref<128x64xf32, #tpu.memory_space<vmem>>, vector<16xf32>,
        tpu.vector_store %arg12[%swap3A, %swap3A_150], %bitcast3A_148 {strides = array<i32>} : memref<128x64xf32, #tpu.memory_space<vmem>>, vector<16xf32>,
        %swap3A_152 = arith.index_cast %scan3A_142 : i32 to index
        %swap3A_153 = arith.constant 16 : index
        %swap3A_154 = tpu.vector_load %arg12[%swap3A_152, %swap3A_153] {strides = array<i32>} : memref<128x64xf32, #tpu.memory_space<vmem>>, vector<16xf32>,
        tpu.vector_store %arg12[%swap3A_152, %swap3A_153], %bitcast3A_149 {strides = array<i32>} : memref<128x64xf32, #tpu.memory_space<vmem>>, vector<16xf32>,
        %get3A_155 = arith.index_cast %scan3A_142 : i32 to index
        %get3A_156 = arith.constant 32 : index
        %get3A_157 = tpu.vector_load %arg10[%get3A_155, %get3A_156] {strides = array<i32>} : memref<128x64xbf16, #tpu.memory_space<vmem>>, vector<32xbf16>,
        %bitcast3A_158 = vector.bitcast %get3A_157 : vector<32xbf16> to vector<16xi32>
        %shift_left3A_159 = arith.constant 16 : i32
        %shift_left3A_160 = vector.broadcast %shift_left3A_159 : i32 to vector<16xi32>
        %shift_left3A_161 = arith.shli %bitcast3A_158, %shift_left3A_160 : vector<16xi32>
        %bitcast3A_162 = vector.bitcast %shift_left3A_161 : vector<16xi32> to vector<16xf32>
        %and3A_163 = arith.andi %bitcast3A_158, %broadcast_in_dim3A_54 : vector<16xi32>
        %bitcast3A_164 = vector.bitcast %and3A_163 : vector<16xi32> to vector<16xf32>
        %swap3A_165 = arith.index_cast %scan3A_142 : i32 to index
        %swap3A_166 = arith.constant 32 : index
        %swap3A_167 = tpu.vector_load %arg12[%swap3A_165, %swap3A_166] {strides = array<i32>} : memref<128x64xf32, #tpu.memory_space<vmem>>, vector<16xf32>,
        tpu.vector_store %arg12[%swap3A_165, %swap3A_166], %bitcast3A_162 {strides = array<i32>} : memref<128x64xf32, #tpu.memory_space<vmem>>, vector<16xf32>,
        %swap3A_168 = arith.index_cast %scan3A_142 : i32 to index
        %swap3A_169 = arith.constant 48 : index
        %swap3A_170 = tpu.vector_load %arg12[%swap3A_168, %swap3A_169] {strides = array<i32>} : memref<128x64xf32, #tpu.memory_space<vmem>>, vector<16xf32>,
        tpu.vector_store %arg12[%swap3A_168, %swap3A_169], %bitcast3A_164 {strides = array<i32>} : memref<128x64xf32, #tpu.memory_space<vmem>>, vector<16xf32>,
        %scan3A_171 = arith.constant 0 : i32
        scf.yield %scan3A_171 : i32
      }
      %scan3A_133 = arith.constant 128 : i32
      %add3A_134 = arith.constant 1 : i32
      %add3A_135 = arith.addi %mul3A_78, %add3A_134 : i32
      "tpu.region"() ({
        %run_scoped3A = tpu.sem_alloc : memref<!tpu.dma_semaphore, #tpu.memory_space<semaphore_mem>>
        %dma_start3A_142 = arith.constant 0 : i32
        %dma_start3A_143 = tpu.memref_slice %arg8[%add3A_135, %dma_start3A_142] : memref<158x128xi32, #tpu.memory_space<vmem>> -> memref<1x128xi32, #tpu.memory_space<vmem>>
        %dma_start3A_144 = tpu.memref_squeeze %dma_start3A_143 : memref<1x128xi32, #tpu.memory_space<vmem>> -> memref<128xi32, #tpu.memory_space<vmem>>
        %dma_start3A_145 = arith.constant 0 : i32
        %dma_start3A_146 = arith.constant 0 : i32
        %dma_start3A_147 = tpu.memref_slice %arg15[%dma_start3A_145, %dma_start3A_146] : memref<10240x64xf32, #tpu.memory_space<vmem_shared>> -> memref<10240x64xf32, #tpu.memory_space<vmem_shared>>
        tpu.enqueue_indirect_dma source(%arg12 : memref<128x64xf32, #tpu.memory_space<vmem>>) target(%dma_start3A_147 : memref<10240x64xf32, #tpu.memory_space<vmem_shared>>) offsets(%dma_start3A_144 : memref<128xi32, #tpu.memory_space<vmem>>) semaphore(%run_scoped3A : memref<!tpu.dma_semaphore, #tpu.memory_space<semaphore_mem>>) {add = true}
        %dma_wait3A_148 = arith.constant 0 : i32
        %dma_wait3A_149 = tpu.memref_slice %arg8[%add3A_135, %dma_wait3A_148] : memref<158x128xi32, #tpu.memory_space<vmem>> -> memref<1x128xi32, #tpu.memory_space<vmem>>
        %dma_wait3A_150 = tpu.memref_squeeze %dma_wait3A_149 : memref<1x128xi32, #tpu.memory_space<vmem>> -> memref<128xi32, #tpu.memory_space<vmem>>
        %dma_wait3A_151 = arith.constant 0 : i32
        %dma_wait3A_152 = arith.constant 0 : i32
        %dma_wait3A_153 = tpu.memref_slice %arg15[%dma_wait3A_151, %dma_wait3A_152] : memref<10240x64xf32, #tpu.memory_space<vmem_shared>> -> memref<10240x64xf32, #tpu.memory_space<vmem_shared>>
        tpu.wait_indirect_dma semaphore(%run_scoped3A : memref<!tpu.dma_semaphore, #tpu.memory_space<semaphore_mem>>) src(%arg12 : memref<128x64xf32, #tpu.memory_space<vmem>>) dst(%dma_wait3A_153 : memref<10240x64xf32, #tpu.memory_space<vmem_shared>>)
        tpu.yield
      }) : () -> ()
      %eq3A_136 = arith.constant 1 : i32
      %eq3A_137 = arith.cmpi eq, %arg0, %eq3A_136 : i32
      %convert_element_type3A_138 = arith.extui %eq3A_137 : i1 to i32
      %cond3A_139 = arith.constant 0 : i32
      %cond3A_140 = arith.cmpi ne, %convert_element_type3A_138, %cond3A_139 : i32
      scf.if %cond3A_140 {
        %add3A_142 = arith.constant 1 : i32
        %add3A_143 = arith.addi %mul3A_78, %add3A_142 : i32
        "tpu.region"() ({
          %run_scoped3A = tpu.sem_alloc : memref<!tpu.dma_semaphore, #tpu.memory_space<semaphore_mem>>
          %dma_start3A_144 = arith.constant 0 : i32
          %dma_start3A_145 = tpu.memref_slice %arg8[%add3A_143, %dma_start3A_144] : memref<158x128xi32, #tpu.memory_space<vmem>> -> memref<1x128xi32, #tpu.memory_space<vmem>>
          %dma_start3A_146 = tpu.memref_squeeze %dma_start3A_145 : memref<1x128xi32, #tpu.memory_space<vmem>> -> memref<128xi32, #tpu.memory_space<vmem>>
          %dma_start3A_147 = arith.constant 0 : i32
          %dma_start3A_148 = arith.constant 0 : i32
          %dma_start3A_149 = tpu.memref_slice %arg16[%dma_start3A_147, %dma_start3A_148] : memref<10240x16xf32, #tpu.memory_space<vmem_shared>> -> memref<10240x16xf32, #tpu.memory_space<vmem_shared>>
          tpu.enqueue_indirect_dma source(%arg13 : memref<128x16xf32, #tpu.memory_space<vmem>>) target(%dma_start3A_149 : memref<10240x16xf32, #tpu.memory_space<vmem_shared>>) offsets(%dma_start3A_146 : memref<128xi32, #tpu.memory_space<vmem>>) semaphore(%run_scoped3A : memref<!tpu.dma_semaphore, #tpu.memory_space<semaphore_mem>>) {add = true}
          %dma_wait3A_150 = arith.constant 0 : i32
          %dma_wait3A_151 = tpu.memref_slice %arg8[%add3A_143, %dma_wait3A_150] : memref<158x128xi32, #tpu.memory_space<vmem>> -> memref<1x128xi32, #tpu.memory_space<vmem>>
          %dma_wait3A_152 = tpu.memref_squeeze %dma_wait3A_151 : memref<1x128xi32, #tpu.memory_space<vmem>> -> memref<128xi32, #tpu.memory_space<vmem>>
          %dma_wait3A_153 = arith.constant 0 : i32
          %dma_wait3A_154 = arith.constant 0 : i32
          %dma_wait3A_155 = tpu.memref_slice %arg16[%dma_wait3A_153, %dma_wait3A_154] : memref<10240x16xf32, #tpu.memory_space<vmem_shared>> -> memref<10240x16xf32, #tpu.memory_space<vmem_shared>>
          tpu.wait_indirect_dma semaphore(%run_scoped3A : memref<!tpu.dma_semaphore, #tpu.memory_space<semaphore_mem>>) src(%arg13 : memref<128x16xf32, #tpu.memory_space<vmem>>) dst(%dma_wait3A_155 : memref<10240x16xf32, #tpu.memory_space<vmem_shared>>)
          tpu.yield
        }) : () -> ()
      } else {
      }
      %scan3A_141 = arith.constant 0 : i32
      scf.yield %scan3A_141 : i32
    }
    %scan3A_71 = arith.constant 79 : i32
    %barrier3A_72 = arith.constant 0 : index
    tpu.barrier barrier_id(%barrier3A_72)
    %mul3A_73 = arith.constant 64 : i32
    %mul3A_74 = arith.muli %arg0, %mul3A_73 : i32
    "tpu.region"() ({
      %run_scoped3A = tpu.sem_alloc : memref<!tpu.dma_semaphore, #tpu.memory_space<semaphore_mem>>
      %dma_start3A_75 = tpu.memref_slice %arg5[%mul3A_0, %mul3A_74] : memref<10240x128xf32, #tpu.memory_space<hbm>> -> memref<640x64xf32, #tpu.memory_space<hbm>>
      %dma_start3A_76 = arith.constant 0 : i32
      %dma_start3A_77 = tpu.memref_slice %arg15[%mul3A_0, %dma_start3A_76] : memref<10240x64xf32, #tpu.memory_space<vmem_shared>> -> memref<640x64xf32, #tpu.memory_space<vmem_shared>>
      tpu.enqueue_dma source(%dma_start3A_77 : memref<640x64xf32, #tpu.memory_space<vmem_shared>>) target(%dma_start3A_75 : memref<640x64xf32, #tpu.memory_space<hbm>>) target_semaphore(%run_scoped3A : memref<!tpu.dma_semaphore, #tpu.memory_space<semaphore_mem>>)
      %dma_wait3A = tpu.memref_slice %arg5[%mul3A_0, %mul3A_74] : memref<10240x128xf32, #tpu.memory_space<hbm>> -> memref<640x64xf32, #tpu.memory_space<hbm>>
      %dma_wait3A_78 = arith.constant 0 : i32
      %dma_wait3A_79 = tpu.memref_slice %arg15[%mul3A_0, %dma_wait3A_78] : memref<10240x64xf32, #tpu.memory_space<vmem_shared>> -> memref<640x64xf32, #tpu.memory_space<vmem_shared>>
      tpu.wait_dma2 semaphore(%run_scoped3A : memref<!tpu.dma_semaphore, #tpu.memory_space<semaphore_mem>>) src(%dma_wait3A_79 : memref<640x64xf32, #tpu.memory_space<vmem_shared>>) dst(%dma_wait3A : memref<640x64xf32, #tpu.memory_space<hbm>>)
      tpu.yield
    }) : () -> ()
    "tpu.region"() ({
      %run_scoped3A = tpu.sem_alloc : memref<!tpu.dma_semaphore, #tpu.memory_space<semaphore_mem>>
      %dma_start3A_75 = arith.constant 0 : i32
      %dma_start3A_76 = tpu.memref_slice %arg6[%arg0, %mul3A_0, %dma_start3A_75] : memref<2x10240x16xf32, #tpu.memory_space<hbm>> -> memref<1x640x16xf32, #tpu.memory_space<hbm>>
      %dma_start3A_77 = tpu.memref_squeeze %dma_start3A_76 : memref<1x640x16xf32, #tpu.memory_space<hbm>> -> memref<640x16xf32, #tpu.memory_space<hbm>>
      %dma_start3A_78 = arith.constant 0 : i32
      %dma_start3A_79 = tpu.memref_slice %arg16[%mul3A_0, %dma_start3A_78] : memref<10240x16xf32, #tpu.memory_space<vmem_shared>> -> memref<640x16xf32, #tpu.memory_space<vmem_shared>>
      tpu.enqueue_dma source(%dma_start3A_79 : memref<640x16xf32, #tpu.memory_space<vmem_shared>>) target(%dma_start3A_77 : memref<640x16xf32, #tpu.memory_space<hbm>>) target_semaphore(%run_scoped3A : memref<!tpu.dma_semaphore, #tpu.memory_space<semaphore_mem>>)
      %dma_wait3A = arith.constant 0 : i32
      %dma_wait3A_80 = tpu.memref_slice %arg6[%arg0, %mul3A_0, %dma_wait3A] : memref<2x10240x16xf32, #tpu.memory_space<hbm>> -> memref<1x640x16xf32, #tpu.memory_space<hbm>>
      %dma_wait3A_81 = tpu.memref_squeeze %dma_wait3A_80 : memref<1x640x16xf32, #tpu.memory_space<hbm>> -> memref<640x16xf32, #tpu.memory_space<hbm>>
      %dma_wait3A_82 = arith.constant 0 : i32
      %dma_wait3A_83 = tpu.memref_slice %arg16[%mul3A_0, %dma_wait3A_82] : memref<10240x16xf32, #tpu.memory_space<vmem_shared>> -> memref<640x16xf32, #tpu.memory_space<vmem_shared>>
      tpu.wait_dma2 semaphore(%run_scoped3A : memref<!tpu.dma_semaphore, #tpu.memory_space<semaphore_mem>>) src(%dma_wait3A_83 : memref<640x16xf32, #tpu.memory_space<vmem_shared>>) dst(%dma_wait3A_81 : memref<640x16xf32, #tpu.memory_space<hbm>>)
      tpu.yield
    }) : () -> ()
    return
  }
}

module attributes {stable_mosaic.version = 14 : i64} {
  func.func @_tc_loop_msg(%arg0: i32, %arg1: memref<2000x128xf32, #tpu.memory_space<vmem>>, %arg2: memref<128x128xf32, #tpu.memory_space<vmem>>, %arg3: memref<1x1xf32, #tpu.memory_space<smem>>, %arg4: memref<2000x128xf32, #tpu.memory_space<vmem>>) attributes {dimension_semantics = [#tpu.dimension_semantics<arbitrary>], iteration_bounds = array<i64: 5>, scalar_prefetch = 0 : i64, scratch_operands = 0 : i64, tpu.core_type = #tpu.core_type<tc>, window_params = [{transform_indices = @transform_0, window_bounds = array<i64: 2000, 128>}, {pipeline_mode = #tpu.pipeline_mode<synchronous>, transform_indices = @transform_1, window_bounds = array<i64: 128, 128>}, {transform_indices = @transform_2, window_bounds = array<i64: 1, 1>}, {transform_indices = @transform_3, window_bounds = array<i64: 2000, 128>}]} {
    %get3A = arith.constant 0 : index
    %get3A_0 = arith.constant 0 : index
    %get3A_1 = memref.load %arg3[%get3A, %get3A_0] : memref<1x1xf32, #tpu.memory_space<smem>>
    %sqrt3A = math.sqrt %get3A_1 : f32
    %get3A_2 = arith.constant 0 : index
    %get3A_3 = arith.constant 0 : index
    %get3A_4 = vector.load %arg1[%get3A_2, %get3A_3] : memref<2000x128xf32, #tpu.memory_space<vmem>>, vector<2000x128xf32>
    %mul3A = arith.mulf %get3A_4, %get3A_4 : vector<2000x128xf32>
    %reduce_sum3A = arith.constant dense<0.000000e+00> : vector<2000xf32>
    %reduce_sum3A_5 = vector.multi_reduction <add>, %mul3A, %reduce_sum3A [1] : vector<2000x128xf32> to vector<2000xf32>
    %broadcast_in_dim3A = vector.shape_cast %reduce_sum3A_5 : vector<2000xf32> to vector<2000x1xf32>
    %sqrt3A_6 = math.sqrt %broadcast_in_dim3A : vector<2000x1xf32>
    %max3A = arith.constant 9.99999974E-6 : f32
    %max3A_7 = vector.broadcast %max3A : f32 to vector<2000x1xf32>
    %max3A_8 = arith.maximumf %sqrt3A_6, %max3A_7 : vector<2000x1xf32>
    %get3A_9 = arith.constant 0 : index
    %get3A_10 = arith.constant 0 : index
    %get3A_11 = vector.load %arg2[%get3A_9, %get3A_10] : memref<128x128xf32, #tpu.memory_space<vmem>>, vector<128x128xf32>
    %dot_general3A = arith.constant dense<0.000000e+00> : vector<2000x128xf32>
    %dot_general3A_12 = tpu.matmul %get3A_4, %get3A_11, %dot_general3A {dimension_numbers = #tpu.dot_dimension_numbers<[1], [0], [0], [1], [0, 0, 1, 1], [], []>, transpose_lhs_hint = false} : vector<2000x128xf32>, vector<128x128xf32>, vector<2000x128xf32> -> vector<2000x128xf32>
    %mul3A_13 = arith.mulf %dot_general3A_12, %dot_general3A_12 : vector<2000x128xf32>
    %reduce_sum3A_14 = arith.constant dense<0.000000e+00> : vector<2000xf32>
    %reduce_sum3A_15 = vector.multi_reduction <add>, %mul3A_13, %reduce_sum3A_14 [1] : vector<2000x128xf32> to vector<2000xf32>
    %broadcast_in_dim3A_16 = vector.shape_cast %reduce_sum3A_15 : vector<2000xf32> to vector<2000x1xf32>
    %sqrt3A_17 = math.sqrt %broadcast_in_dim3A_16 : vector<2000x1xf32>
    %max3A_18 = arith.constant 9.99999974E-6 : f32
    %max3A_19 = vector.broadcast %max3A_18 : f32 to vector<2000x1xf32>
    %max3A_20 = arith.maximumf %sqrt3A_17, %max3A_19 : vector<2000x1xf32>
    %mul3A_21 = vector.broadcast %sqrt3A : f32 to vector<2000x1xf32>
    %mul3A_22 = arith.mulf %mul3A_21, %max3A_8 : vector<2000x1xf32>
    %jit3A = arith.constant -0.99999988 : f32
    %jit3A_23 = arith.constant 0.99999988 : f32
    %max3A_24 = vector.broadcast %jit3A : f32 to vector<2000x1xf32>
    %max3A_25 = arith.maximumf %max3A_24, %mul3A_22 : vector<2000x1xf32>
    %min3A = vector.broadcast %jit3A_23 : f32 to vector<2000x1xf32>
    %min3A_26 = arith.minimumf %min3A, %max3A_25 : vector<2000x1xf32>
    %add3A = arith.constant 1.000000e+00 : f32
    %add3A_27 = vector.broadcast %add3A : f32 to vector<2000x1xf32>
    %add3A_28 = arith.addf %add3A_27, %min3A_26 : vector<2000x1xf32>
    %sub3A = arith.constant 1.000000e+00 : f32
    %sub3A_29 = vector.broadcast %sub3A : f32 to vector<2000x1xf32>
    %sub3A_30 = arith.subf %sub3A_29, %min3A_26 : vector<2000x1xf32>
    %div3A = arith.divf %add3A_28, %sub3A_30 : vector<2000x1xf32>
    %log3A = math.log %div3A : vector<2000x1xf32>
    %mul3A_31 = arith.constant 5.000000e-01 : f32
    %mul3A_32 = vector.broadcast %mul3A_31 : f32 to vector<2000x1xf32>
    %mul3A_33 = arith.mulf %mul3A_32, %log3A : vector<2000x1xf32>
    %div3A_34 = arith.divf %max3A_20, %max3A_8 : vector<2000x1xf32>
    %mul3A_35 = arith.mulf %div3A_34, %mul3A_33 : vector<2000x1xf32>
    %tanh3A = math.tanh %mul3A_35 : vector<2000x1xf32>
    %mul3A_36 = vector.broadcast %tanh3A : vector<2000x1xf32> to vector<2000x128xf32>
    %mul3A_37 = arith.mulf %mul3A_36, %dot_general3A_12 : vector<2000x128xf32>
    %mul3A_38 = vector.broadcast %sqrt3A : f32 to vector<2000x1xf32>
    %mul3A_39 = arith.mulf %max3A_20, %mul3A_38 : vector<2000x1xf32>
    %div3A_40 = vector.broadcast %mul3A_39 : vector<2000x1xf32> to vector<2000x128xf32>
    %div3A_41 = arith.divf %mul3A_37, %div3A_40 : vector<2000x128xf32>
    %swap3A = arith.constant 0 : index
    %swap3A_42 = arith.constant 0 : index
    %swap3A_43 = vector.load %arg4[%swap3A, %swap3A_42] : memref<2000x128xf32, #tpu.memory_space<vmem>>, vector<2000x128xf32>
    tpu.vector_store %arg4[%swap3A, %swap3A_42], %div3A_41 {strides = array<i32>} : memref<2000x128xf32, #tpu.memory_space<vmem>>, vector<2000x128xf32>,
    return
  }
  func.func @transform_0(%arg0: i32) -> (i32, i32) {
    %c0_i32 = arith.constant 0 : i32
    %c0_i32_0 = arith.constant 0 : i32
    return %arg0, %c0_i32 : i32, i32
  }
  func.func @transform_1(%arg0: i32) -> (i32, i32) {
    %c0_i32 = arith.constant 0 : i32
    %c0_i32_0 = arith.constant 0 : i32
    %c0_i32_1 = arith.constant 0 : i32
    return %c0_i32, %c0_i32_0 : i32, i32
  }
  func.func @transform_2(%arg0: i32) -> (i32, i32) {
    %c0_i32 = arith.constant 0 : i32
    %c0_i32_0 = arith.constant 0 : i32
    %c0_i32_1 = arith.constant 0 : i32
    return %c0_i32, %c0_i32_0 : i32, i32
  }
  func.func @transform_3(%arg0: i32) -> (i32, i32) {
    %c0_i32 = arith.constant 0 : i32
    %c0_i32_0 = arith.constant 0 : i32
    return %arg0, %c0_i32 : i32, i32
  }
}

module attributes {stable_mosaic.version = 14 : i64} {
  func.func @_tc_combine(%arg0: i32, %arg1: memref<2000x128xf32, #tpu.memory_space<vmem>>, %arg2: memref<2x2000x16xf32, #tpu.memory_space<vmem>>, %arg3: memref<2000x128xf32, #tpu.memory_space<vmem>>, %arg4: memref<1x128xf32, #tpu.memory_space<vmem>>, %arg5: memref<1x1xf32, #tpu.memory_space<smem>>, %arg6: memref<2000x128xf32, #tpu.memory_space<vmem>>) attributes {dimension_semantics = [#tpu.dimension_semantics<arbitrary>], iteration_bounds = array<i64: 5>, scalar_prefetch = 0 : i64, scratch_operands = 0 : i64, tpu.core_type = #tpu.core_type<tc>, window_params = [{transform_indices = @transform_0, window_bounds = array<i64: 2000, 128>}, {transform_indices = @transform_1, window_bounds = array<i64: 2, 2000, 16>}, {transform_indices = @transform_2, window_bounds = array<i64: 2000, 128>}, {pipeline_mode = #tpu.pipeline_mode<synchronous>, transform_indices = @transform_3, window_bounds = array<i64: 1, 128>}, {transform_indices = @transform_4, window_bounds = array<i64: 1, 1>}, {transform_indices = @transform_5, window_bounds = array<i64: 2000, 128>}]} {
    %get3A = arith.constant 0 : index
    %get3A_0 = arith.constant 0 : index
    %get3A_1 = memref.load %arg5[%get3A, %get3A_0] : memref<1x1xf32, #tpu.memory_space<smem>>
    %get3A_2 = arith.constant 0 : index
    %get3A_3 = arith.constant 0 : index
    %get3A_4 = arith.constant 0 : index
    %get3A_5 = vector.load %arg2[%get3A_2, %get3A_3, %get3A_4] : memref<2x2000x16xf32, #tpu.memory_space<vmem>>, vector<1x2000x16xf32>
    %get3A_6 = vector.shape_cast %get3A_5 : vector<1x2000x16xf32> to vector<2000x16xf32>
    %get3A_7 = arith.constant 1 : index
    %get3A_8 = arith.constant 0 : index
    %get3A_9 = arith.constant 0 : index
    %get3A_10 = vector.load %arg2[%get3A_7, %get3A_8, %get3A_9] : memref<2x2000x16xf32, #tpu.memory_space<vmem>>, vector<1x2000x16xf32>
    %get3A_11 = vector.shape_cast %get3A_10 : vector<1x2000x16xf32> to vector<2000x16xf32>
    %add3A = arith.addf %get3A_6, %get3A_11 : vector<2000x16xf32>
    %slice3A = vector.extract_strided_slice %add3A {offsets = [0, 0], sizes = [2000, 1], strides = [1, 1]} : vector<2000x16xf32> to vector<2000x1xf32>
    %get3A_12 = arith.constant 0 : index
    %get3A_13 = arith.constant 0 : index
    %get3A_14 = vector.load %arg1[%get3A_12, %get3A_13] : memref<2000x128xf32, #tpu.memory_space<vmem>>, vector<2000x128xf32>
    %max3A = arith.constant 1.000000e+00 : f32
    %max3A_15 = vector.broadcast %max3A : f32 to vector<2000x1xf32>
    %max3A_16 = arith.maximumf %slice3A, %max3A_15 : vector<2000x1xf32>
    %div3A = vector.broadcast %max3A_16 : vector<2000x1xf32> to vector<2000x128xf32>
    %div3A_17 = arith.divf %get3A_14, %div3A : vector<2000x128xf32>
    %get3A_18 = arith.constant 0 : index
    %get3A_19 = arith.constant 0 : index
    %get3A_20 = vector.load %arg4[%get3A_18, %get3A_19] : memref<1x128xf32, #tpu.memory_space<vmem>>, vector<1x128xf32>
    %mul3A = arith.mulf %div3A_17, %div3A_17 : vector<2000x128xf32>
    %reduce_sum3A = arith.constant dense<0.000000e+00> : vector<2000xf32>
    %reduce_sum3A_21 = vector.multi_reduction <add>, %mul3A, %reduce_sum3A [1] : vector<2000x128xf32> to vector<2000xf32>
    %broadcast_in_dim3A = vector.shape_cast %reduce_sum3A_21 : vector<2000xf32> to vector<2000x1xf32>
    %mul3A_22 = arith.mulf %get3A_20, %get3A_20 : vector<1x128xf32>
    %reduce_sum3A_23 = arith.constant dense<0.000000e+00> : vector<1xf32>
    %reduce_sum3A_24 = vector.multi_reduction <add>, %mul3A_22, %reduce_sum3A_23 [1] : vector<1x128xf32> to vector<1xf32>
    %broadcast_in_dim3A_25 = vector.shape_cast %reduce_sum3A_24 : vector<1xf32> to vector<1x1xf32>
    %mul3A_26 = vector.broadcast %get3A_20 : vector<1x128xf32> to vector<2000x128xf32>
    %mul3A_27 = arith.mulf %div3A_17, %mul3A_26 : vector<2000x128xf32>
    %reduce_sum3A_28 = arith.constant dense<0.000000e+00> : vector<2000xf32>
    %reduce_sum3A_29 = vector.multi_reduction <add>, %mul3A_27, %reduce_sum3A_28 [1] : vector<2000x128xf32> to vector<2000xf32>
    %broadcast_in_dim3A_30 = vector.shape_cast %reduce_sum3A_29 : vector<2000xf32> to vector<2000x1xf32>
    %mul3A_31 = arith.constant 2.000000e+00 : f32
    %mul3A_32 = arith.mulf %mul3A_31, %get3A_1 : f32
    %mul3A_33 = vector.broadcast %mul3A_32 : f32 to vector<2000x1xf32>
    %mul3A_34 = arith.mulf %mul3A_33, %broadcast_in_dim3A_30 : vector<2000x1xf32>
    %add3A_35 = arith.constant 1.000000e+00 : f32
    %add3A_36 = vector.broadcast %add3A_35 : f32 to vector<2000x1xf32>
    %add3A_37 = arith.addf %add3A_36, %mul3A_34 : vector<2000x1xf32>
    %mul3A_38 = vector.broadcast %get3A_1 : f32 to vector<1x1xf32>
    %mul3A_39 = arith.mulf %mul3A_38, %broadcast_in_dim3A_25 : vector<1x1xf32>
    %add3A_40 = vector.broadcast %mul3A_39 : vector<1x1xf32> to vector<2000x1xf32>
    %add3A_41 = arith.addf %add3A_37, %add3A_40 : vector<2000x1xf32>
    %mul3A_42 = vector.broadcast %add3A_41 : vector<2000x1xf32> to vector<2000x128xf32>
    %mul3A_43 = arith.mulf %mul3A_42, %div3A_17 : vector<2000x128xf32>
    %mul3A_44 = vector.broadcast %get3A_1 : f32 to vector<2000x1xf32>
    %mul3A_45 = arith.mulf %mul3A_44, %broadcast_in_dim3A : vector<2000x1xf32>
    %sub3A = arith.constant 1.000000e+00 : f32
    %sub3A_46 = vector.broadcast %sub3A : f32 to vector<2000x1xf32>
    %sub3A_47 = arith.subf %sub3A_46, %mul3A_45 : vector<2000x1xf32>
    %mul3A_48 = vector.broadcast %sub3A_47 : vector<2000x1xf32> to vector<2000x128xf32>
    %mul3A_49 = vector.broadcast %get3A_20 : vector<1x128xf32> to vector<2000x128xf32>
    %mul3A_50 = arith.mulf %mul3A_48, %mul3A_49 : vector<2000x128xf32>
    %add3A_51 = arith.addf %mul3A_43, %mul3A_50 : vector<2000x128xf32>
    %mul3A_52 = arith.constant 2.000000e+00 : f32
    %mul3A_53 = arith.mulf %mul3A_52, %get3A_1 : f32
    %mul3A_54 = vector.broadcast %mul3A_53 : f32 to vector<2000x1xf32>
    %mul3A_55 = arith.mulf %mul3A_54, %broadcast_in_dim3A_30 : vector<2000x1xf32>
    %add3A_56 = arith.constant 1.000000e+00 : f32
    %add3A_57 = vector.broadcast %add3A_56 : f32 to vector<2000x1xf32>
    %add3A_58 = arith.addf %add3A_57, %mul3A_55 : vector<2000x1xf32>
    %mul3A_59 = arith.mulf %get3A_1, %get3A_1 : f32
    %mul3A_60 = vector.broadcast %mul3A_59 : f32 to vector<2000x1xf32>
    %mul3A_61 = arith.mulf %mul3A_60, %broadcast_in_dim3A : vector<2000x1xf32>
    %mul3A_62 = vector.broadcast %broadcast_in_dim3A_25 : vector<1x1xf32> to vector<2000x1xf32>
    %mul3A_63 = arith.mulf %mul3A_61, %mul3A_62 : vector<2000x1xf32>
    %add3A_64 = arith.addf %add3A_58, %mul3A_63 : vector<2000x1xf32>
    %add3A_65 = arith.constant 1.000000e-15 : f32
    %add3A_66 = vector.broadcast %add3A_65 : f32 to vector<2000x1xf32>
    %add3A_67 = arith.addf %add3A_64, %add3A_66 : vector<2000x1xf32>
    %div3A_68 = vector.broadcast %add3A_67 : vector<2000x1xf32> to vector<2000x128xf32>
    %div3A_69 = arith.divf %add3A_51, %div3A_68 : vector<2000x128xf32>
    %get3A_70 = arith.constant 0 : index
    %get3A_71 = arith.constant 0 : index
    %get3A_72 = vector.load %arg3[%get3A_70, %get3A_71] : memref<2000x128xf32, #tpu.memory_space<vmem>>, vector<2000x128xf32>
    %mul3A_73 = arith.mulf %div3A_69, %div3A_69 : vector<2000x128xf32>
    %reduce_sum3A_74 = arith.constant dense<0.000000e+00> : vector<2000xf32>
    %reduce_sum3A_75 = vector.multi_reduction <add>, %mul3A_73, %reduce_sum3A_74 [1] : vector<2000x128xf32> to vector<2000xf32>
    %broadcast_in_dim3A_76 = vector.shape_cast %reduce_sum3A_75 : vector<2000xf32> to vector<2000x1xf32>
    %mul3A_77 = arith.mulf %get3A_72, %get3A_72 : vector<2000x128xf32>
    %reduce_sum3A_78 = arith.constant dense<0.000000e+00> : vector<2000xf32>
    %reduce_sum3A_79 = vector.multi_reduction <add>, %mul3A_77, %reduce_sum3A_78 [1] : vector<2000x128xf32> to vector<2000xf32>
    %broadcast_in_dim3A_80 = vector.shape_cast %reduce_sum3A_79 : vector<2000xf32> to vector<2000x1xf32>
    %mul3A_81 = arith.mulf %div3A_69, %get3A_72 : vector<2000x128xf32>
    %reduce_sum3A_82 = arith.constant dense<0.000000e+00> : vector<2000xf32>
    %reduce_sum3A_83 = vector.multi_reduction <add>, %mul3A_81, %reduce_sum3A_82 [1] : vector<2000x128xf32> to vector<2000xf32>
    %broadcast_in_dim3A_84 = vector.shape_cast %reduce_sum3A_83 : vector<2000xf32> to vector<2000x1xf32>
    %mul3A_85 = arith.constant 2.000000e+00 : f32
    %mul3A_86 = arith.mulf %mul3A_85, %get3A_1 : f32
    %mul3A_87 = vector.broadcast %mul3A_86 : f32 to vector<2000x1xf32>
    %mul3A_88 = arith.mulf %mul3A_87, %broadcast_in_dim3A_84 : vector<2000x1xf32>
    %add3A_89 = arith.constant 1.000000e+00 : f32
    %add3A_90 = vector.broadcast %add3A_89 : f32 to vector<2000x1xf32>
    %add3A_91 = arith.addf %add3A_90, %mul3A_88 : vector<2000x1xf32>
    %mul3A_92 = vector.broadcast %get3A_1 : f32 to vector<2000x1xf32>
    %mul3A_93 = arith.mulf %mul3A_92, %broadcast_in_dim3A_80 : vector<2000x1xf32>
    %add3A_94 = arith.addf %add3A_91, %mul3A_93 : vector<2000x1xf32>
    %mul3A_95 = vector.broadcast %add3A_94 : vector<2000x1xf32> to vector<2000x128xf32>
    %mul3A_96 = arith.mulf %mul3A_95, %div3A_69 : vector<2000x128xf32>
    %mul3A_97 = vector.broadcast %get3A_1 : f32 to vector<2000x1xf32>
    %mul3A_98 = arith.mulf %mul3A_97, %broadcast_in_dim3A_76 : vector<2000x1xf32>
    %sub3A_99 = arith.constant 1.000000e+00 : f32
    %sub3A_100 = vector.broadcast %sub3A_99 : f32 to vector<2000x1xf32>
    %sub3A_101 = arith.subf %sub3A_100, %mul3A_98 : vector<2000x1xf32>
    %mul3A_102 = vector.broadcast %sub3A_101 : vector<2000x1xf32> to vector<2000x128xf32>
    %mul3A_103 = arith.mulf %mul3A_102, %get3A_72 : vector<2000x128xf32>
    %add3A_104 = arith.addf %mul3A_96, %mul3A_103 : vector<2000x128xf32>
    %mul3A_105 = arith.constant 2.000000e+00 : f32
    %mul3A_106 = arith.mulf %mul3A_105, %get3A_1 : f32
    %mul3A_107 = vector.broadcast %mul3A_106 : f32 to vector<2000x1xf32>
    %mul3A_108 = arith.mulf %mul3A_107, %broadcast_in_dim3A_84 : vector<2000x1xf32>
    %add3A_109 = arith.constant 1.000000e+00 : f32
    %add3A_110 = vector.broadcast %add3A_109 : f32 to vector<2000x1xf32>
    %add3A_111 = arith.addf %add3A_110, %mul3A_108 : vector<2000x1xf32>
    %mul3A_112 = arith.mulf %get3A_1, %get3A_1 : f32
    %mul3A_113 = vector.broadcast %mul3A_112 : f32 to vector<2000x1xf32>
    %mul3A_114 = arith.mulf %mul3A_113, %broadcast_in_dim3A_76 : vector<2000x1xf32>
    %mul3A_115 = arith.mulf %mul3A_114, %broadcast_in_dim3A_80 : vector<2000x1xf32>
    %add3A_116 = arith.addf %add3A_111, %mul3A_115 : vector<2000x1xf32>
    %add3A_117 = arith.constant 1.000000e-15 : f32
    %add3A_118 = vector.broadcast %add3A_117 : f32 to vector<2000x1xf32>
    %add3A_119 = arith.addf %add3A_116, %add3A_118 : vector<2000x1xf32>
    %div3A_120 = vector.broadcast %add3A_119 : vector<2000x1xf32> to vector<2000x128xf32>
    %div3A_121 = arith.divf %add3A_104, %div3A_120 : vector<2000x128xf32>
    %max3A_122 = arith.constant 0.000000e+00 : f32
    %max3A_123 = vector.broadcast %max3A_122 : f32 to vector<2000x128xf32>
    %max3A_124 = arith.maximumf %div3A_121, %max3A_123 : vector<2000x128xf32>
    %swap3A = arith.constant 0 : index
    %swap3A_125 = arith.constant 0 : index
    %swap3A_126 = vector.load %arg6[%swap3A, %swap3A_125] : memref<2000x128xf32, #tpu.memory_space<vmem>>, vector<2000x128xf32>
    tpu.vector_store %arg6[%swap3A, %swap3A_125], %max3A_124 {strides = array<i32>} : memref<2000x128xf32, #tpu.memory_space<vmem>>, vector<2000x128xf32>,
    return
  }
  func.func @transform_0(%arg0: i32) -> (i32, i32) {
    %c0_i32 = arith.constant 0 : i32
    %c0_i32_0 = arith.constant 0 : i32
    return %arg0, %c0_i32 : i32, i32
  }
  func.func @transform_1(%arg0: i32) -> (i32, i32, i32) {
    %c0_i32 = arith.constant 0 : i32
    %c0_i32_0 = arith.constant 0 : i32
    %c0_i32_1 = arith.constant 0 : i32
    return %c0_i32, %arg0, %c0_i32_0 : i32, i32, i32
  }
  func.func @transform_2(%arg0: i32) -> (i32, i32) {
    %c0_i32 = arith.constant 0 : i32
    %c0_i32_0 = arith.constant 0 : i32
    return %arg0, %c0_i32 : i32, i32
  }
  func.func @transform_3(%arg0: i32) -> (i32, i32) {
    %c0_i32 = arith.constant 0 : i32
    %c0_i32_0 = arith.constant 0 : i32
    %c0_i32_1 = arith.constant 0 : i32
    return %c0_i32, %c0_i32_0 : i32, i32
  }
  func.func @transform_4(%arg0: i32) -> (i32, i32) {
    %c0_i32 = arith.constant 0 : i32
    %c0_i32_0 = arith.constant 0 : i32
    %c0_i32_1 = arith.constant 0 : i32
    return %c0_i32, %c0_i32_0 : i32, i32
  }
  func.func @transform_5(%arg0: i32) -> (i32, i32) {
    %c0_i32 = arith.constant 0 : i32
    %c0_i32_0 = arith.constant 0 : i32
    return %arg0, %c0_i32 : i32, i32
  }
}

</mosaic_0001>

<sc_bundles>
// kernel: kernel.5.cloned.1.call-start
scs
__scs_entry_jumppad:
0x0: {  	(pc) =	sbr.rel $0x88, $3  }
0x1: {  	(tag) =	ssettag $0x0;
	lr =	simm.s32 $0x1  }
0x2: {  	[smem:$0x3F9B] =	sst lr;
	_ =	strace $0xD0000000  }
0x3: {  	_ = 	snop  }
0x4: {  	_ = 	snop  }
0x5: {  	_ = 	snop  }
0x6: {  	_ = 	snop  }
0x7: {  	_ = 	snop  }
__scs_overlays_trampoline_lowered:
0x8: {  	[smem:$0x3FAA] =	sst s0  }
0x9: {  	[smem:$0x3FAB] =	sst s1  }
0xa: {  	[smem:$0x3FAC] =	sst s2  }
0xb: {  	[smem:$0x3FAD] =	sst s3  }
0xc: {  	[smem:$0x3FAE] =	sst s4  }
0xd: {  	[smem:$0x3FAF] =	sst s5  }
0xe: {  	[smem:$0x3FB0] =	sst s6  }
0xf: {  	[smem:$0x3FB1] =	sst s7  }
0x10: {  	[smem:$0x3FB2] =	sst s8  }
0x11: {  	[smem:$0x3FB3] =	sst s9;
	s0 =	simm.s32 @!p0 $0x0  }
0x12: {  	s1 =	sld [smem:$0x3F99];
	s0 =	simm.s32 @p0 $0x1  }
0x13: {  	[smem:$0x3FB4] =	sst s0;
	s0 =	simm.s32 @!p1 $0x0  }
0x14: {  	s2 =	sld [smem:$0x3F98];
	s0 =	simm.s32 @p1 $0x1  }
0x15: {  	[smem:$0x3FB5] =	sst s0;
	s0 =	simm.s32 @!p2 $0x0  }
0x16: {  	s3 =	sld [smem:$0x3FDB];
	s0 =	simm.s32 @p2 $0x1  }
0x17: {  	s4 =	simm.s32 $0x1BF5;
	[smem:$0x3FB7] =	sst s0  }
0x18: {  	s0 =	sld [smem:$0x3F9A];
	_ =	swait.ge [sflag:s4], $0x0  }
0x19: {  	s7 =	sld [smem:$0x3F9B]  }
0x1a: {  	s8 =	sadd.s32 $0xFFFFE003, lr  }
0x1b: {  	s9 =	sadd.s32 $0xFFFFFEF7, lr;
	s5 =	simm.s32 $0xFFFFFFFF;
	p2 =	slt.u32 s8, $0xFFFFF086  }
0x1c: {  	p1 =	slt.u32 s9, $0xF7A;
	s5 =	simm.s32 @!p2 $0x0  }
0x1d: {  	s5 =	simm.s32 @p1 $0x1;
	p0 =	seq.s32 s7, s2  }
0x1e: {  	s7 =	smul.u32 @!p0 $0xF7A, s2;
	p2 =	seq.s32 @!p0 s5, $0x0  }
0x1f: {  	s9 =	smul.u32 $0xF7A, s1;
	s8 =	simm.s32 @!p0 $0x1BF5;
	p2 =	por !p2, p0  }
0x20: {  	[sflag:s8] =	ssyncset.s32 @!p0 $0xFFFFF086;
	s6 =	sadd.s32 @!p0 s3, s7;
	s7 =	simm.s32 @!p0 $0x108  }
0x21: {  	s3 =	sadd.s32 s3, s9;
	s6 =	sadd.s32 @!p0 $0x88, s6;
	s7 =	simm.s32 @p2 $0x1082  }
0x22: {  	[simem:s7], [sflag:s8] =	dma.local @!p0 [hbm:s6], $0xF7A  }
0x23: {  	s9 =	sor.u32 $0xD0000000, s2;
	s6 =	simm.s32 $0x108;
	_ =	swait.ge @!p0 [sflag:s8], $0x0  }
0x24: {  	s3 =	sadd.s32 $0x88, s3;
	s6 =	simm.s32 @!p1 $0x1082;
	[sflag:s4] =	ssyncset.s32 $0xFFFFF086  }
0x25: {  	[simem:s6], [sflag:s4] =	dma.local [hbm:s3], $0xF7A  }
0x26: {  	[smem:$0x3F9B] =	sst s1;
	(tag) =	ssettag s2;
	_ =	strace s9  }
0x27: {  	s1 =	sld [smem:$0x3FAB]  }
0x28: {  	s2 =	sld [smem:$0x3FAC]  }
0x29: {  	s4 =	sld [smem:$0x3FAE]  }
0x2a: {  	p0 =	seq.s32 s5, $0x0;
	s5 =	sld [smem:$0x3FAF]  }
0x2b: {  	s6 =	sld [smem:$0x3FB0]  }
0x2c: {  	s7 =	sld [smem:$0x3FB1]  }
0x2d: {  	s3 =	simm.s32 $0x108;
	s8 =	sld [smem:$0x3FB2]  }
0x2e: {  	s3 =	simm.s32 @!p0 $0x1082;
	s9 =	sld [smem:$0x3FB3]  }
0x2f: {  	lr =	sadd.s32 s0, s3;
	s0 =	sld [smem:$0x3FAA]  }
0x30: {  	s3 =	sld [smem:$0x3FAD]  }
0x31: {  	[smem:$0x3FB6] =	sst s10  }
0x32: {  	s10 =	sld [smem:$0x3FB4];
	_ =	sdelay $0x3  }
0x33: {  	p0 =	seq.s32 s10, $0x1;
	s10 =	sld [smem:$0x3FB6];
	_ =	sdelay $0x3  }
0x34: {  	[smem:$0x3FB6] =	sst s10  }
0x35: {  	s10 =	sld [smem:$0x3FB5];
	_ =	sdelay $0x3  }
0x36: {  	p1 =	seq.s32 s10, $0x1;
	s10 =	sld [smem:$0x3FB6];
	_ =	sdelay $0x3  }
0x37: {  	[smem:$0x3FB6] =	sst s10  }
0x38: {  	s10 =	sld [smem:$0x3FB7]  }
0x39: {  	_ = 	snop;
	(pc) =	sbr.ind lr, $3  }
0x3a: {  	_ = 	snop  }
0x3b: {  	_ = 	snop  }
0x3c: {  	p2 =	seq.s32 s10, $0x1;
	s10 =	sld [smem:$0x3FB6]  }
0x3d: {  	_ =	shalt  }
0x3e: {  	_ =	shalt  }
0x3f: {  	_ =	shalt  }
0x40: {  	_ =	shalt  }
0x41: {  	_ =	shalt  }
0x42: {  	_ =	shalt  }
0x43: {  	_ =	shalt  }
0x44: {  	_ =	shalt  }
0x45: {  	_ =	shalt  }
0x46: {  	_ =	shalt  }
0x47: {  	_ =	shalt  }
0x48: {  	_ =	shalt  }
0x49: {  	_ =	shalt  }
0x4a: {  	_ =	shalt  }
0x4b: {  	_ =	shalt  }
0x4c: {  	_ =	shalt  }
0x4d: {  	_ =	shalt  }
0x4e: {  	_ =	shalt  }
0x4f: {  	_ =	shalt  }
0x50: {  	_ =	shalt  }
0x51: {  	_ =	shalt  }
0x52: {  	_ =	shalt  }
0x53: {  	_ =	shalt  }
0x54: {  	_ =	shalt  }
0x55: {  	_ =	shalt  }
0x56: {  	_ =	shalt  }
0x57: {  	_ =	shalt  }
0x58: {  	_ =	shalt  }
0x59: {  	_ =	shalt  }
0x5a: {  	_ =	shalt  }
0x5b: {  	_ =	shalt  }
0x5c: {  	_ =	shalt  }
0x5d: {  	_ =	shalt  }
0x5e: {  	_ =	shalt  }
0x5f: {  	_ =	shalt  }
0x60: {  	_ =	shalt  }
0x61: {  	_ =	shalt  }
0x62: {  	_ =	shalt  }
0x63: {  	_ =	shalt  }
0x64: {  	_ =	shalt  }
0x65: {  	_ =	shalt  }
0x66: {  	_ =	shalt  }
0x67: {  	_ =	shalt  }
0x68: {  	_ =	shalt  }
0x69: {  	_ =	shalt  }
0x6a: {  	_ =	shalt  }
0x6b: {  	_ =	shalt  }
0x6c: {  	_ =	shalt  }
0x6d: {  	_ =	shalt  }
0x6e: {  	_ =	shalt  }
0x6f: {  	_ =	shalt  }
0x70: {  	_ =	shalt  }
0x71: {  	_ =	shalt  }
0x72: {  	_ =	shalt  }
0x73: {  	_ =	shalt  }
0x74: {  	_ =	shalt  }
0x75: {  	_ =	shalt  }
0x76: {  	_ =	shalt  }
0x77: {  	_ =	shalt  }
0x78: {  	_ =	shalt  }
0x79: {  	_ =	shalt  }
0x7a: {  	_ =	shalt  }
0x7b: {  	_ =	shalt  }
0x7c: {  	_ =	shalt  }
0x7d: {  	_ =	shalt  }
0x7e: {  	_ =	shalt  }
0x7f: {  	_ =	shalt  }
0x80: {  	_ =	shalt  }
0x81: {  	_ =	shalt  }
0x82: {  	_ =	shalt  }
0x83: {  	_ =	shalt  }
0x84: {  	_ =	shalt  }
0x85: {  	_ =	shalt  }
0x86: {  	_ =	shalt  }
0x87: {  	_ =	shalt  }
.Lfunc_end0:
.L_simem_size_0:
called_computation_lowered:
.L_overlay_start_0:
0x88: {  	s2 =	sld [smem:$0x3FD9]  }
0x89: {  	s3 =	sld [smem:$0x3FFE];
	_ =	sdelay $0x1  }
0x8a: {  	s1 =	srdreg.scid  }
0x8b: {  	s0 =	sand.u32 $0x1, s1  }
0x8c: {  	s17 =	sshll.u32 s0, $0xA;
	s2 =	sadd.s32 s3, s2  }
0x8d: {  	s2 =	sadd.s32 s2, s17  }
0x8e: {  	[smem:$0x3FC2] =	sst s2  }
0x8f: {  	_ = 	snop  }
0x90: {  	s2 =	sld [smem:$0x3FD0];
	(tm) =	ssettm $0x1  }
0x91: {  	s18 =	sld [smem:$0x3FFB];
	_ =	sdelay $0x3  }
0x92: {  	_ =	strace s18  }
0x93: {  	s3 =	sld [smem:$0x3FFC];
	_ =	sdelay $0x3  }
0x94: {  	_ =	strace s3  }
0x95: {  	s3 =	sld [smem:$0x3FFD];
	_ =	sdelay $0x3  }
0x96: {  	_ =	strace s3  }
0x97: {  	_ =	strace $0x8FFFFFFF  }
0x98: {  	s19 =	sld [smem:$0x3FDB];
	_ =	sdelay $0x1  }
0x99: {  	s4 =	simm.s32 $_scs_section_size  }
0x9a: {  	s5 =	simm.s32 $_size__tile_overlayer_lowered;
	s6 =	simm.s32 $_tile_overlayer_lowered  }
0x9b: {  	s22 =	simm.s32 $0x1BFF;
	s21 =	sshll.u32 s6, $0x1;
	s3 =	sadd.s32 s4, s19  }
0x9c: {  	s7 =	simm.s32 $0x0;
	s20 =	sshll.u32 s5, $0x1;
	s5 =	sadd.s32 s21, s3  }
0x9d: {  	[timem:s7], [sflag:s22] =	dma.local [hbm:s5], s20  }
0x9e: {  	_ =	swait.ge [sflag:s22], s20  }
0x9f: {  	s4 =	ssub.s32 $0x0, s20;
	[sflag:s22] =	ssyncset.done $0x0  }
0xa0: {  	[sflag:s22] =	ssyncadd.s32 s4;
	_ =	sdelay $0x1  }
0xa1: {  	s23 =	simm.s32 $0x1B8B  }
0xa2: {  	_ =	swait.ge [sflag:s23], $0x1  }
0xa3: {  	[sflag:s23] =	ssyncset.done $0x0  }
0xa4: {  	s25 =	simm.s32 $0x1B8E;
	s24 =	sld [smem:$0x3FFE];
	[sflag:s23] =	ssyncadd.s32 $0xFFFFFFFF  }
0xa5: {  	s26 =	simm.s32 $execute0_lowered;
	[smem:$0x3FD2] =	sst s25  }
0xa6: {  	s5 =	sshll.u32 s26, $0x1;
	_ =	strace $0x80000046;
	[dreg:$0x1] =	wrdreg $0xFFFFFFFF  }
0xa7: {  	s28 =	simm.s32 $_size_execute0_lowered;
	s3 =	sadd.s32 s3, s5;
	[dreg:$0x0] =	wrdreg $0x0  }
0xa8: {  	s5 =	sshll.u32 s28, $0x1;
	[dreg:$0x2] =	wrdreg s3  }
0xa9: {  	[dreg:$0x3] =	wrdreg s5  }
0xaa: {  	[dreg:$0x4] =	wrdreg $0xC0  }
0xab: {  	_ =	task [dreg:s7], $0x5FFFF  }
0xac: {  	[dreg:$0x1] =	wrdreg $0xFFFFFFFF  }
0xad: {  	[dreg:$0x0] =	wrdreg $0x60  }
0xae: {  	[dreg:$0x2] =	wrdreg s2  }
0xaf: {  	[dreg:$0x3] =	wrdreg s24  }
0xb0: {  	[dreg:$0x4] =	wrdreg $0x10A000  }
0xb1: {  	[dreg:$0x5] =	wrdreg $0x1AA000  }
0xb2: {  	[dreg:$0x6] =	wrdreg $0x9  }
0xb3: {  	_ =	task.clear_ibuf [dreg:s7], $0x7FFFF;
	_ =	strace $0x90000046  }
0xb4: {  	s29 =	simm.s32 $0x9;
	_ =	strace $0x80000048  }
0xb5: {  	_ =	swait.ge [sflag:s29], $0x1  }
0xb6: {  	[sflag:s29] =	ssyncadd.s32 $0xFFFFFFFF  }
0xb7: {  	_ =	strace $0x90000048  }
0xb8: {  	_ =	sfence  }
0xb9: {  	s30 =	sld [smem:$0x0];
	_ =	sdelay $0x2  }
0xba: {  	s31 =	sshll.u32 s1, $0xD;
	s1 =	sshrl.u32 s1, $0x2  }
0xbb: {  	s3 =	sand.u32 $0x4000, s31;
	s1 =	sadd.s32 s1, s30  }
0xbc: {  	s0 =	sor.u32 s3, s0;
	s1 =	sshll.u32 s1, $0x11  }
0xbd: {  	s0 =	sor.u32 s1, s0  }
0xbe: {  	s0 =	sadd.s32 $0x8F2B, s0  }
0xbf: {  	[sflag:s0] =	ssyncadd.remote.s32 $0x1  }
0xc0: {  	_ =	sfence.sel $0xFFFF  }
0xc1: {  	[dreg:$0x0] =	wrdreg $0xFFFFFFFF;
	(pc) =	sbr.abs _section_cstart, $3  }
0xc2: {  	[dreg:$0x1] =	wrdreg $0xFFFFFFFF  }
0xc3: {  	_ =	task.clear_ibuf [dreg:s7], $0x2FFFF;
	_ =	strace $0x9FFFFFFF  }
0xc4: {  	(tm) =	ssettm $0x7FFFFFFF  }
0xc5: {  	_ =	shalt  }
tec
execute0_lowered:
.L_overlay_start_1:
0x0: {  	(tag) =	ssettag $0x1  }
0x1: {  	s0 =	rddreg [dreg:$0x0]  }
0x2: {  	s1 =	rddreg [dreg:$0x1];
	s15 =	stileid.u32  }
0x3: {  	s2 =	rddreg [dreg:$0x2];
	s5 =	smul.u32 $0x9E0, s15  }
0x4: {  	s3 =	rddreg [dreg:$0x3];
	s7 =	smul.u32 $0x14000, s15  }
0x5: {  	s6 =	srdreg.scid;
	s8 =	smul.u32 $0x2800, s15  }
0x6: {  	s4 =	simm.s32 $0x0;
	s28 =	simm.s32 $0x3;
	s19 =	smul.u32 $0x280, s15  }
0x7: {  	s29 =	simm.s32 $0x10600;
	s31 =	simm.s32 $0x80;
	s12 =	smul.u32 $0x28000, s15  }
0x8: {  	s30 =	simm.s32 $0x1;
	s6 =	sand.u32 $0x1, s6;
	s15 =	smul.u32 $0xA000, s15  }
0x9: {  	[smem:$0x7FF] =	sst s4;
	s9 =	sshll.u32 s6, $0x6;
	s10 =	smul.u32 $0x28000, s6  }
0xa: {  	_ =	strace $0x80000047;
	s20 =	ssub.s32 $0x2, s6;
	p0 =	sne.s32 s6, $0x0  }
0xb: {  	p1 =	seq.s32 s6, $0x0;
	s11 =	sadd.s32 s5, s1;
	s17 =	sor.u32 s9, s7  }
0xc: {  	s21 =	sshrl.u32 s20, $0x1;
	s22 =	sshrl.u32 s12, $0x2;
	s23 =	sadd.s32 $0x80, s19  }
0xd: {  	s14 =	sadd.s32 $0x100, s19;
	s16 =	sadd.s32 $0x180, s19;
	s9 =	sadd.s32 $0x200, s19  }
0xe: {  	s15 =	sshrl.u32 s15, $0x2;
	s5 =	sshrl.u32 s17, $0x3;
	s18 =	sadd.s32 s8, s10  }
0xf: {  	s24 =	sshll.u32 s23, $0x6;
	s25 =	sshll.u32 s14, $0x6;
	s26 =	sshll.u32 s16, $0x6  }
0x10: {  	s17 =	sshll.u32 s9, $0x6;
	s7 =	sshrl.u32 s18, $0x3;
	s13 =	sadd.s32 s5, s1  }
0x11: {  	s5 =	sadd.s32 s22, s2;
	s10 =	sadd.s32 s24, s2;
	s18 =	sadd.s32 s17, s2  }
0x12: {  	s24 =	sshll.u32 s16, $0x4;
	s1 =	sadd.s32 s7, s1;
	[dreg:$0x5] =	wrdreg s10  }
0x13: {  	s7 =	ssub.s32 s20, s21;
	s10 =	sadd.s32 s25, s2;
	[dreg:$0x8] =	wrdreg s18  }
0x14: {  	s20 =	sadd.s32 s15, s3;
	s21 =	sshll.u32 s23, $0x4;
	s23 =	sshll.u32 s14, $0x4  }
0x15: {  	s25 =	smul.u32 $0x9C40, s6;
	s16 =	sadd.s32 s24, s3;
	s6 =	simm.s32 $0x2  }
0x16: {  	[dreg:$0x6] =	wrdreg s10;
	s10 =	sadd.s32 s26, s2;
	s19 =	sadd.s32 $0x400, s20  }
0x17: {  	s22 =	sadd.s32 $0xC00, s20;
	s15 =	sadd.s32 $0x1400, s20;
	s26 =	sshll.u32 s9, $0x4  }
0x18: {  	s18 =	sadd.s32 $0x1C00, s20;
	s20 =	sadd.s32 $0x2400, s20;
	[dreg:$0x7] =	wrdreg s10  }
0x19: {  	s24 =	sadd.s32 $0x14E00, s1;
	s1 =	simm.s32 $0xAE00;
	[dreg:$0x9] =	wrdreg s19  }
0x1a: {  	s10 =	sadd.s32 s8, s3;
	s8 =	sadd.s32 s21, s3;
	[dreg:$0xb] =	wrdreg s22  }
0x1b: {  	s17 =	sadd.s32 s0, s25;
	s19 =	sadd.s32 s26, s3;
	s21 =	sadd.s32 $0xB000, s11  }
0x1c: {  	s22 =	sadd.s32 $0x1200, s11;
	s25 =	smax.u32 s7, $0x1;
	s26 =	simm.s32 $0xBE00  }
0x1d: {  	s0 =	simm.s32 $0x4;
	[dreg:$0xa] =	wrdreg s8;
	s8 =	sadd.s32 s23, s3  }
0x1e: {  	v0 =	vimm.f32 $0.0e+00;
	v1 =	vimm.f32 $1.000000000e+00;
	s7 =	simm.s32 $0xDE00;
	s23 =	sadd.s32 $0x1EE00, s13;
	[dreg:$0xc] =	wrdreg s8  }
.LBB2_1:
0x1f: {  	s9 =	simm.s32 $0x100;
	s8 =	simm.s32 $0x0  }
.LBB2_2:
0x20: {  	p2 =	sne.s32 s9, $0x7F00;
	[tilespmem:s8+$0xBE30] =	vst v0;
	s11 =	smov.u32 s9;
	s9 =	sadd.s32 $0x100, s9  }
.Ltmp0:
0x21: {  	[tilespmem:s8+$0xBE20] =	vst v0;
	(pc) =	sbr.rel @p2 .LBB2_2-.Ltmp0, $3  }
0x22: {  	[tilespmem:s8+$0xBE00] =	vst v0  }
0x23: {  	[tilespmem:s8+$0xBE10] =	vst v0;
	_ =	sdelay $0x1  }
0x24: {  	s8 =	sshra.s32 s11, $0x2  }
0x25: {  	[tilespmem:s8+$0xBE30] =	vst v0  }
0x26: {  	[tilespmem:s8+$0xBE20] =	vst v0  }
0x27: {  	[tilespmem:s8+$0xBE00] =	vst v0  }
0x28: {  	[tilespmem:s8+$0xBE10] =	vst v0;
	s8 =	simm.s32 $0x40;
	s9 =	simm.s32 $0x0  }
.LBB2_4:
0x29: {  	p2 =	sne.s32 s8, $0xFC0;
	[tilespmem:s9+$0x10600] =	vst v0;
	s9 =	smov.u32 s8;
	s8 =	sadd.s32 $0x40, s8  }
.Ltmp1:
0x2a: {  	(pc) =	sbr.rel @p2 .LBB2_4-.Ltmp1, $2  }
0x2b: {  	_ =	sdelay $0x2  }
0x2c: {  	s9 =	sshra.s32 s9, $0x2  }
0x2d: {  	[tilespmem:s9+$0x10600] =	vst v0;
	s8 =	simm.s32 $0x40;
	s9 =	simm.s32 $0x0  }
.LBB2_6:
0x2e: {  	p2 =	sne.s32 s8, $0x1FC0;
	[tilespmem:s9+$0xFE00] =	vst v1;
	s9 =	smov.u32 s8;
	s8 =	sadd.s32 $0x40, s8  }
.Ltmp2:
0x2f: {  	(pc) =	sbr.rel @p2 .LBB2_6-.Ltmp2, $2  }
0x30: {  	_ =	sdelay $0x2  }
0x31: {  	s9 =	sshra.s32 s9, $0x2  }
0x32: {  	[tilespmem:s9+$0xFE00] =	vst v1  }
0x33: {  	[spmem:s5] =	stream.linear.scatter [tilespmem:s26], [sflag:$0x3], $0x2000, $0x38;
	[tilespmem:$0x1D200] =	vst v63  }
0x34: {  	_ =	swait.ge [sflag:s28], $0x2000  }
0x35: {  	[sflag:s28] =	ssyncset.done $0x0  }
0x36: {  	s8 =	rddreg [dreg:$0x5];
	[sflag:s28] =	ssyncadd.s32 $0xFFFFE000  }
0x37: {  	[spmem:s8] =	stream.linear.scatter [tilespmem:s26], [sflag:$0x3], $0x2000, $0x38;
	[tilespmem:$0x1D200] =	vst v63  }
0x38: {  	_ =	swait.ge [sflag:s28], $0x2000  }
0x39: {  	[sflag:s28] =	ssyncset.done $0x0  }
0x3a: {  	s11 =	rddreg [dreg:$0x6];
	[sflag:s28] =	ssyncadd.s32 $0xFFFFE000  }
0x3b: {  	[spmem:s11] =	stream.linear.scatter [tilespmem:s26], [sflag:$0x3], $0x2000, $0x38;
	[tilespmem:$0x1D200] =	vst v63  }
0x3c: {  	_ =	swait.ge [sflag:s28], $0x2000  }
0x3d: {  	[sflag:s28] =	ssyncset.done $0x0  }
0x3e: {  	s12 =	rddreg [dreg:$0x7];
	[sflag:s28] =	ssyncadd.s32 $0xFFFFE000  }
0x3f: {  	[spmem:s12] =	stream.linear.scatter [tilespmem:s26], [sflag:$0x3], $0x2000, $0x38;
	[tilespmem:$0x1D200] =	vst v63  }
0x40: {  	_ =	swait.ge [sflag:s28], $0x2000  }
0x41: {  	[sflag:s28] =	ssyncset.done $0x0  }
0x42: {  	s13 =	rddreg [dreg:$0x8];
	[sflag:s28] =	ssyncadd.s32 $0xFFFFE000  }
0x43: {  	[spmem:s13] =	stream.linear.scatter [tilespmem:s26], [sflag:$0x3], $0x2000, $0x38;
	[tilespmem:$0x1D200] =	vst v63  }
0x44: {  	_ =	swait.ge [sflag:s28], $0x2000  }
0x45: {  	[sflag:s28] =	ssyncset.done $0x0  }
0x46: {  	[sflag:s28] =	ssyncadd.s32 $0xFFFFE000  }
0x47: {  	[spmem:s10] =	stream.linear.scatter [tilespmem:s29], [sflag:$0x3], $0x400, $0x38;
	[tilespmem:$0x1D200] =	vst v63  }
0x48: {  	_ =	swait.ge [sflag:s28], $0x400  }
0x49: {  	[sflag:s28] =	ssyncset.done $0x0  }
0x4a: {  	s14 =	rddreg [dreg:$0x9];
	[sflag:s28] =	ssyncadd.s32 $0xFFFFFC00  }
0x4b: {  	[spmem:s14] =	stream.linear.scatter [tilespmem:s29], [sflag:$0x3], $0x400, $0x38;
	[tilespmem:$0x1D200] =	vst v63  }
0x4c: {  	_ =	swait.ge [sflag:s28], $0x400  }
0x4d: {  	[sflag:s28] =	ssyncset.done $0x0  }
0x4e: {  	s9 =	rddreg [dreg:$0xa];
	[sflag:s28] =	ssyncadd.s32 $0xFFFFFC00  }
0x4f: {  	[spmem:s9] =	stream.linear.scatter [tilespmem:s29], [sflag:$0x3], $0x400, $0x38;
	[tilespmem:$0x1D200] =	vst v63  }
0x50: {  	_ =	swait.ge [sflag:s28], $0x400  }
0x51: {  	[sflag:s28] =	ssyncset.done $0x0  }
0x52: {  	s11 =	rddreg [dreg:$0xb];
	[sflag:s28] =	ssyncadd.s32 $0xFFFFFC00  }
0x53: {  	[spmem:s11] =	stream.linear.scatter [tilespmem:s29], [sflag:$0x3], $0x400, $0x38;
	[tilespmem:$0x1D200] =	vst v63  }
0x54: {  	_ =	swait.ge [sflag:s28], $0x400  }
0x55: {  	[sflag:s28] =	ssyncset.done $0x0  }
0x56: {  	s12 =	rddreg [dreg:$0xc];
	[sflag:s28] =	ssyncadd.s32 $0xFFFFFC00  }
0x57: {  	[spmem:s12] =	stream.linear.scatter [tilespmem:s29], [sflag:$0x3], $0x400, $0x38;
	[tilespmem:$0x1D200] =	vst v63  }
0x58: {  	_ =	swait.ge [sflag:s28], $0x400  }
0x59: {  	[sflag:s28] =	ssyncset.done $0x0  }
0x5a: {  	[sflag:s28] =	ssyncadd.s32 $0xFFFFFC00  }
0x5b: {  	[spmem:s15] =	stream.linear.scatter [tilespmem:s29], [sflag:$0x3], $0x400, $0x38;
	[tilespmem:$0x1D200] =	vst v63  }
0x5c: {  	_ =	swait.ge [sflag:s28], $0x400  }
0x5d: {  	[sflag:s28] =	ssyncset.done $0x0  }
0x5e: {  	[sflag:s28] =	ssyncadd.s32 $0xFFFFFC00  }
0x5f: {  	[spmem:s16] =	stream.linear.scatter [tilespmem:s29], [sflag:$0x3], $0x400, $0x38;
	[tilespmem:$0x1D200] =	vst v63  }
0x60: {  	_ =	swait.ge [sflag:s28], $0x400  }
0x61: {  	[sflag:s28] =	ssyncset.done $0x0  }
0x62: {  	[sflag:s28] =	ssyncadd.s32 $0xFFFFFC00  }
0x63: {  	[spmem:s18] =	stream.linear.scatter [tilespmem:s29], [sflag:$0x3], $0x400, $0x38;
	[tilespmem:$0x1D200] =	vst v63  }
0x64: {  	_ =	swait.ge [sflag:s28], $0x400  }
0x65: {  	[sflag:s28] =	ssyncset.done $0x0  }
0x66: {  	[sflag:s28] =	ssyncadd.s32 $0xFFFFFC00  }
0x67: {  	[spmem:s19] =	stream.linear.scatter [tilespmem:s29], [sflag:$0x3], $0x400, $0x38;
	[tilespmem:$0x1D200] =	vst v63  }
0x68: {  	_ =	swait.ge [sflag:s28], $0x400  }
0x69: {  	[sflag:s28] =	ssyncset.done $0x0  }
0x6a: {  	[sflag:s28] =	ssyncadd.s32 $0xFFFFFC00  }
0x6b: {  	[spmem:s20] =	stream.linear.scatter [tilespmem:s29], [sflag:$0x3], $0x400, $0x38;
	[tilespmem:$0x1D200] =	vst v63  }
0x6c: {  	_ =	swait.ge [sflag:s28], $0x400  }
0x6d: {  	[sflag:s28] =	ssyncset.done $0x0  }
0x6e: {  	s8 =	simm.s32 $0x0;
	[sflag:s28] =	ssyncadd.s32 $0xFFFFFC00  }
0x6f: {  	[tilespmem:s8], [sflag:$0x3] =	stream.linear.gather [hbm4b:s21+s8], $0x4F00, $0x38;
	[tilespmem:$0x1D200] =	vst v63  }
0x70: {  	_ =	swait.ge [sflag:s28], $0x4F00  }
0x71: {  	[sflag:s28] =	ssyncset.done $0x0  }
0x72: {  	s13 =	simm.s32 $0x4F00;
	[sflag:s28] =	ssyncadd.s32 $0xFFFFB100  }
0x73: {  	[tilespmem:s13], [sflag:$0x3] =	stream.linear.gather [hbm4b:s22+s8], $0x4F00, $0x38;
	[tilespmem:$0x1D200] =	vst v63  }
0x74: {  	_ =	swait.ge [sflag:s28], $0x4F00  }
0x75: {  	[sflag:s28] =	ssyncset.done $0x0  }
0x76: {  	[sflag:s28] =	ssyncadd.s32 $0xFFFFB100  }
0x77: {  	s14 =	simm.s32 $0x9E00;
	[bflag:$0x0] =	sbarrier.arrive $0xFFFF  }
0x78: {  	[tilespmem:s14], [sflag:$0x1] =	stream.indirect.gather [hbm4b:s17+s31], $0x20, s8, s31, $0xb8;
	[tilespmem:$0x1D200] =	vst v63  }
.LBB2_8:
0x79: {  	s9 =	sshll.u32 s8, $0x8  }
0x7a: {  	s9 =	sor.u32 $0x80, s9  }
0x7b: {  	[tilespmem:s1], [sflag:$0x2] =	stream.indirect.gather [hbm4b:s17+s31], $0x20, s9, s31, $0xb8;
	[tilespmem:$0x1D200] =	vst v63  }
0x7c: {  	_ =	swait.ge [sflag:s30], $0x1000  }
0x7d: {  	[sflag:s30] =	ssyncset.done $0x0  }
0x7e: {  	s12 =	simm.s32 $0x0;
	[sflag:s30] =	ssyncadd.s32 $0xFFFFF000  }
0x7f: {  	v2 =	vld [tilespmem:s12+$0x9E00];
	_ =	sdelay $0x4  }
0x80: {  	s11 =	simm.s32 $0xBE20;
	v3 =	vshll.u32 v2, $0x10  }
0x81: {  	v2 =	vand.u32 $0xFFFF0000, v2;
	[tilespmem:s11+$0xFFFFFFE0] =	vst v3  }
0x82: {  	[tilespmem:s11+$0xFFFFFFF0] =	vst v2  }
0x83: {  	s13 =	simm.s32 $0x80;
	v2 =	vld [tilespmem:s12+$0x9E10];
	s12 =	simm.s32 $0xBE20  }
.LBB2_9:
0x84: {  	_ =	sdelay $0x2  }
0x85: {  	p2 =	sne.s32 s13, $0x3F80  }
0x86: {  	s11 =	sadd.s32 $0x40, s11;
	s14 =	smov.u32 s13;
	s13 =	sadd.s32 $0x80, s13;
	v3 =	vshll.u32 v2, $0x10;
	v2 =	vand.u32 $0xFFFF0000, v2  }
0x87: {  	[tilespmem:s12+$0x0] =	vst v3  }
0x88: {  	s14 =	sshra.s32 s14, $0x2;
	[tilespmem:s12+$0x10] =	vst v2;
	s12 =	smov.u32 s11  }
0x89: {  	v2 =	vld [tilespmem:s14+$0x9E00];
	_ =	sdelay $0x3  }
.Ltmp3:
0x8a: {  	(pc) =	sbr.rel @p2 .LBB2_9-.Ltmp3, $4  }
0x8b: {  	v3 =	vshll.u32 v2, $0x10;
	v2 =	vand.u32 $0xFFFF0000, v2  }
0x8c: {  	[tilespmem:s11+$0xFFFFFFE0] =	vst v3  }
0x8d: {  	[tilespmem:s11+$0xFFFFFFF0] =	vst v2  }
0x8e: {  	v2 =	vld [tilespmem:s14+$0x9E10]  }
0x8f: {  	_ =	sdelay $0x3  }
0x90: {  	s11 =	sshll.u32 s8, $0xA;
	v3 =	vshll.u32 v2, $0x10  }
0x91: {  	s13 =	sshrl.u32 s11, $0x2;
	v2 =	vand.u32 $0xFFFF0000, v2;
	[tilespmem:s12+$0x0] =	vst v3  }
0x92: {  	[tilespmem:s12+$0x10] =	vst v2;
	s12 =	sadd.s32 $0x4F00, s13  }
0x93: {  	[spmem:s2] =	stream.indirect.scatter.add.f32 [tilespmem:s26], [sflag:$0x4], $0x40, s12, s31, $0xb8;
	[tilespmem:$0x1D200] =	vst v63  }
0x94: {  	_ =	swait.ge [sflag:s0], $0x2000  }
0x95: {  	[sflag:s0] =	ssyncset.done $0x0  }
0x96: {  	s14 =	simm.s32 @!p0 $0xFE00;
	s13 =	simm.s32 @!p0 $0x80;
	[sflag:s0] =	ssyncadd.s32 $0xFFFFE000  }
0x97: {  	[spmem:s3] =	stream.indirect.scatter.add.f32 @!p0 [tilespmem:s14], [sflag:$0x4], $0x10, s12, s13, $0xb8;
	[tilespmem:$0x1D200] =	vst v63  }
0x98: {  	p2 =	seq.s32 s8, $0x4E;
	s12 =	simm.s32 @!p0 $0x4  }
0x99: {  	s11 =	sshrl.u32 @!p2 s11, $0x2;
	_ =	swait.ge @!p0 [sflag:s12], $0x800  }
0x9a: {  	s11 =	sadd.s32 @!p2 $0x100, s11;
	[sflag:s12] =	ssyncset.done @!p0 $0x0  }
0x9b: {  	s13 =	simm.s32 @!p2 $0x9E00;
	[sflag:s12] =	ssyncadd.s32 @!p0 $0xFFFFF800;
	s12 =	simm.s32 @!p2 $0x80  }
0x9c: {  	[tilespmem:s13], [sflag:$0x1] =	stream.indirect.gather @!p2 [hbm4b:s17+s12], $0x20, s11, s12, $0xb8;
	[tilespmem:$0x1D200] =	vst v63  }
0x9d: {  	_ =	swait.ge [sflag:s6], $0x1000  }
0x9e: {  	[sflag:s6] =	ssyncset.done $0x0  }
0x9f: {  	s14 =	simm.s32 $0x0;
	[sflag:s6] =	ssyncadd.s32 $0xFFFFF000  }
0xa0: {  	v2 =	vld [tilespmem:s14+$0xAE00];
	_ =	sdelay $0x4  }
0xa1: {  	s11 =	simm.s32 $0xDE20;
	v3 =	vshll.u32 v2, $0x10  }
0xa2: {  	v2 =	vand.u32 $0xFFFF0000, v2;
	[tilespmem:s11+$0xFFFFFFE0] =	vst v3  }
0xa3: {  	[tilespmem:s11+$0xFFFFFFF0] =	vst v2  }
0xa4: {  	s13 =	simm.s32 $0x80;
	s12 =	simm.s32 $0xDE20;
	v2 =	vld [tilespmem:s14+$0xAE10]  }
.LBB2_11:
0xa5: {  	_ =	sdelay $0x2  }
0xa6: {  	p2 =	sne.s32 s13, $0x3F80  }
0xa7: {  	s11 =	sadd.s32 $0x40, s11;
	s14 =	smov.u32 s13;
	s13 =	sadd.s32 $0x80, s13;
	v3 =	vshll.u32 v2, $0x10;
	v2 =	vand.u32 $0xFFFF0000, v2  }
0xa8: {  	[tilespmem:s12+$0x0] =	vst v3  }
0xa9: {  	s14 =	sshra.s32 s14, $0x2;
	[tilespmem:s12+$0x10] =	vst v2;
	s12 =	smov.u32 s11  }
0xaa: {  	v2 =	vld [tilespmem:s14+$0xAE00];
	_ =	sdelay $0x3  }
.Ltmp4:
0xab: {  	(pc) =	sbr.rel @p2 .LBB2_11-.Ltmp4, $4  }
0xac: {  	v3 =	vshll.u32 v2, $0x10;
	v2 =	vand.u32 $0xFFFF0000, v2  }
0xad: {  	[tilespmem:s11+$0xFFFFFFE0] =	vst v3  }
0xae: {  	[tilespmem:s11+$0xFFFFFFF0] =	vst v2  }
0xaf: {  	v2 =	vld [tilespmem:s14+$0xAE10]  }
0xb0: {  	_ =	sdelay $0x3  }
0xb1: {  	v3 =	vshll.u32 v2, $0x10  }
0xb2: {  	v2 =	vand.u32 $0xFFFF0000, v2;
	[tilespmem:s12+$0x0] =	vst v3  }
0xb3: {  	s9 =	sadd.s32 $0x4F00, s9;
	[tilespmem:s12+$0x10] =	vst v2  }
0xb4: {  	[spmem:s2] =	stream.indirect.scatter.add.f32 [tilespmem:s7], [sflag:$0x4], $0x40, s9, s31, $0xb8;
	[tilespmem:$0x1D200] =	vst v63  }
0xb5: {  	_ =	swait.ge [sflag:s0], $0x2000  }
0xb6: {  	s11 =	simm.s32 @!p1 $0x80;
	s8 =	sadd.s32 $0x1, s8;
	[sflag:s0] =	ssyncset.done $0x0  }
0xb7: {  	p2 =	sne.s32 s8, $0x4F;
	s12 =	simm.s32 @!p1 $0xFE00;
	[sflag:s0] =	ssyncadd.s32 $0xFFFFE000  }
0xb8: {  	[spmem:s3] =	stream.indirect.scatter.add.f32 @!p1 [tilespmem:s12], [sflag:$0x3], $0x10, s9, s11, $0xb8;
	[tilespmem:$0x1D200] =	vst v63  }
.Ltmp5:
0xb9: {  	_ = 	snop;
	(pc) =	sbr.rel @p2 .LBB2_8-.Ltmp5, $4  }
0xba: {  	s9 =	simm.s32 @!p1 $0x3  }
0xbb: {  	_ =	swait.ge @!p1 [sflag:s9], $0x800  }
0xbc: {  	[sflag:s9] =	ssyncset.done @!p1 $0x0  }
0xbd: {  	[sflag:s9] =	ssyncadd.s32 @!p1 $0xFFFFF800  }
0xbe: {  	s8 =	stileid.u32  }
0xbf: {  	[bflag:$0x0] =	sbarrier.arrive $0xFFFF;
	s9 =	sshrl.u32 s5, $0x3;
	s8 =	sshll.u32 s8, $0x6  }
0xc0: {  	s11 =	simm.s32 $0x10;
	s12 =	simm.s32 $0x8;
	s8 =	sor.u32 $0x1C03, s8  }
0xc1: {  	[hbm:s23@s11], [sflag:s8] =	dma.strided [spmem:s9@s12], $0x1400, s30, $0x8   }
0xc2: {  	s4 =	sadd.s32 $0x1, s4;
	_ =	swait.ge [sflag:s28], $0x1400  }
0xc3: {  	p2 =	sne.s32 s4, s25;
	[sflag:s28] =	ssyncset.done $0x0  }
.Ltmp6:
0xc4: {  	s14 =	sshrl.u32 s10, $0x3;
	[sflag:s28] =	ssyncadd.s32 $0xFFFFEC00;
	(pc) =	sbr.rel @p2 .LBB2_1-.Ltmp6, $4  }
0xc5: {  	[hbm:s24], [sflag:s8] =	dma.local [spmem:s14], $0x500  }
0xc6: {  	_ =	swait.ge [sflag:s28], $0x500  }
0xc7: {  	[sflag:s28] =	ssyncset.done $0x0  }
0xc8: {  	[sflag:s28] =	ssyncadd.s32 $0xFFFFFB00  }
0xc9: {  	_ =	sfence.sel $0x180000  }
0xca: {  	[bflag:$0x0] =	sbarrier.arrive $0xFFFF  }
0xcb: {  	_ =	strace $0x90000047  }
0xcc: {  	s0 =	stileid.u32;
	[bflag:$0x2] =	sbarrier.arrive $0xFFFF  }
0xcd: {  	p0 =	sne.s32 s0, $0x0;
	s0 =	rddreg [dreg:$0x4]  }
0xce: {  	s0 =	sadd.s32 @!p0 $0x100000, s0  }
0xcf: {  	[sflag:s0] =	ssyncadd.tile.s32 @!p0 $0x1;
	_ =	shalt  }
.Lfunc_end2:
_tile_overlayer_lowered:
.L_overlay_start_2:
0xd0: {  	(tag) =	ssettag $0x2  }
0xd1: {  	s0 =	rddreg [dreg:$0x0];
	s2 =	stileid.u32  }
0xd2: {  	s1 =	rddreg [dreg:$0x1];
	p0 =	sne.s32 s2, $0x0  }
0xd3: {  	s3 =	rddreg [dreg:$0x2];
	[bflag:$0x3] =	sbarrier.arrive $0xFFFF;
	s2 =	simm.s32 @!p0 $0x1C03  }
0xd4: {  	[timem:s3], [sflag:s2] =	dma.local @!p0 [hbm:s0], s1  }
0xd5: {  	s0 =	simm.s32 @!p0 $0x3  }
0xd6: {  	_ =	swait.ge @!p0 [sflag:s0], s1  }
0xd7: {  	s1 =	ssub.s32 @!p0 $0x0, s1;
	[sflag:s0] =	ssyncset.done @!p0 $0x0  }
0xd8: {  	[sflag:s0] =	ssyncadd.s32 @!p0 s1  }
0xd9: {  	[bflag:$0x3] =	sbarrier.arrive $0xFFFF  }
0xda: {  	_ =	shalt  }

</sc_bundles>
